<compile_context>
chip_gen: v7x
topology: tpu7x:2x2x1
jax: 0.10.2.dev20260603
libtpu: 0.0.44.dev20260713+nightly
codegen_flags: <defaults>
</compile_context>

<pallas_src>
import functools

import jax
import jax.numpy as jnp
from jax import lax
from jax.experimental import pallas as pl
from jax.experimental.pallas import tpu as pltpu
from jax.experimental.pallas import tpu_sc as plsc

H = 256
W = 256
NEAR = 0.1
FAR = 100.0
REC = 32
NSUB = 16
NCORE = 2
NPIX = 16 * W


def _raster_body(rec_hbm, feat_out, fidx_out, depth_out,
                 fv, xt, depth_v, fidx_v, f0_v, f1_v, f2_v, f3_v):
    b = lax.axis_index("c")
    band = lax.axis_index("s")
    F = fv.shape[0]

    pltpu.sync_copy(rec_hbm.at[b], fv)

    far16 = jnp.full((16,), FAR, jnp.float32)
    neg16 = jnp.full((16,), -1, jnp.int32)
    zero16 = jnp.zeros((16,), jnp.float32)
    lane = lax.iota(jnp.int32, 16)

    def init_body(j, carry):
        rl = j >> 4
        c = pl.multiple_of((j & 15) * 16, 16)
        depth_v[rl, pl.ds(c, 16)] = far16
        fidx_v[rl, pl.ds(c, 16)] = neg16
        f0_v[rl, pl.ds(c, 16)] = zero16
        f1_v[rl, pl.ds(c, 16)] = zero16
        f2_v[rl, pl.ds(c, 16)] = zero16
        return carry

    lax.fori_loop(0, NPIX // 16, init_body, 0)

    def xt_body(j, carry):
        c = pl.multiple_of(j * 16, 16)
        xg = ((c + lane).astype(jnp.float32) * 2.0 + (1.0 - W)) * (1.0 / W)
        xt[pl.ds(c, 16)] = xg
        return carry

    lax.fori_loop(0, W // 16, xt_body, 0)

    band0 = band * 16

    def face_body(f, carry):
        row0 = fv[f, pl.ds(0, 16)]
        row1 = fv[f, pl.ds(16, 16)]
        r_lo = row0[11].astype(jnp.int32)
        r_hi = row0[12].astype(jnp.int32)
        c_lo = row0[13].astype(jnp.int32)
        ng = row0[14].astype(jnp.int32)
        r0 = jnp.maximum(r_lo, band0)
        nk = jnp.minimum(r_hi, band0 + 16) - r0
        rl0 = r0 - band0

        @pl.when(nk > 0)
        def _process():
            a0 = row0[0]
            b0 = row0[1]
            a1 = row0[2]
            b1 = row0[3]
            x2 = row0[4]
            y2 = row0[5]
            sgn = row0[6]
            rsafe = row0[7]
            rq0 = row0[8]
            rq1 = row0[9]
            rz2 = row0[10]
            y2v = jnp.broadcast_to(y2, (16,))
            t00 = row1[0]
            t01 = row1[1]
            t02 = row1[2]
            t10 = row1[3]
            t11 = row1[4]
            t12 = row1[5]
            t20 = row1[6]
            t21 = row1[7]
            t22 = row1[8]
            fvec = jnp.broadcast_to(f.astype(jnp.int32), (16,))

            @plsc.parallel_loop(0, ng)
            def g_body(gi):
                g = pl.multiple_of(c_lo + gi * 16, 16)
                X = xt[pl.ds(g, 16)]
                xm = X - x2
                pa = a0 * xm
                pb = a1 * xm

                @plsc.parallel_loop(0, nk, unroll=2)
                def r_body(k):
                    r = r0 + k
                    rl = rl0 + k
                    yi = (r.astype(jnp.float32) * 2.0 + (1.0 - H)) * (1.0 / H)
                    yd = yi - y2v
                    num0 = pa + b0 * yd
                    num1 = pb + b1 * yd
                    w0 = num0 * rsafe
                    w1 = num1 * rsafe
                    w2 = 1.0 - w0 - w1
                    inside = ((num0 * sgn >= 0.0) & (num1 * sgn >= 0.0)
                              & (w2 >= 0.0))
                    u0 = num0 * rq0
                    u1 = num1 * rq1
                    u2 = w2 * rz2
                    inv_z = u0 + u1 + u2
                    zp = 1.0 / inv_z
                    dcur = depth_v[rl, pl.ds(g, 16)]
                    valid = inside & (zp > NEAR) & (zp < dcur)
                    wc0 = u0 * zp
                    wc1 = u1 * zp
                    wc2 = u2 * zp
                    depth_v[rl, pl.ds(g, 16)] = jnp.where(valid, zp, dcur)
                    fidx_v[rl, pl.ds(g, 16)] = jnp.where(
                        valid, fvec, fidx_v[rl, pl.ds(g, 16)])
                    f0_v[rl, pl.ds(g, 16)] = jnp.where(
                        valid, wc0 * t00 + wc1 * t10 + wc2 * t20,
                        f0_v[rl, pl.ds(g, 16)])
                    f1_v[rl, pl.ds(g, 16)] = jnp.where(
                        valid, wc0 * t01 + wc1 * t11 + wc2 * t21,
                        f1_v[rl, pl.ds(g, 16)])
                    f2_v[rl, pl.ds(g, 16)] = jnp.where(
                        valid, wc0 * t02 + wc1 * t12 + wc2 * t22,
                        f2_v[rl, pl.ds(g, 16)])

        return carry

    lax.fori_loop(0, F, face_body, 0)

    def mask_body(j, carry):
        rl = j >> 4
        c = pl.multiple_of((j & 15) * 16, 16)
        fx = fidx_v[rl, pl.ds(c, 16)]
        f3_v[rl, pl.ds(c, 16)] = jnp.where(fx >= 0, 1.0, 0.0).astype(
            jnp.float32)
        return carry

    lax.fori_loop(0, NPIX // 16, mask_body, 0)

    pltpu.sync_copy(f0_v, feat_out.at[b, 0, pl.ds(band0, 16)])
    pltpu.sync_copy(f1_v, feat_out.at[b, 1, pl.ds(band0, 16)])
    pltpu.sync_copy(f2_v, feat_out.at[b, 2, pl.ds(band0, 16)])
    pltpu.sync_copy(f3_v, feat_out.at[b, 3, pl.ds(band0, 16)])
    pltpu.sync_copy(fidx_v, fidx_out.at[b, pl.ds(band0, 16)])
    pltpu.sync_copy(depth_v, depth_out.at[b, pl.ds(band0, 16)])


@functools.lru_cache(maxsize=None)
def _make_raster(B, F, T):
    mesh = plsc.VectorSubcoreMesh(
        core_axis_name="c", subcore_axis_name="s",
        num_cores=NCORE, num_subcores=NSUB)
    return pl.kernel(
        _raster_body,
        out_type=[
            jax.ShapeDtypeStruct((B, T + 1, H, W), jnp.float32),
            jax.ShapeDtypeStruct((B, H, W), jnp.int32),
            jax.ShapeDtypeStruct((B, H, W), jnp.float32),
        ],
        mesh=mesh,
        scratch_types=[
            pltpu.VMEM((F, REC), jnp.float32),
            pltpu.VMEM((W,), jnp.float32),
            pltpu.VMEM((16, W), jnp.float32),
            pltpu.VMEM((16, W), jnp.int32),
            pltpu.VMEM((16, W), jnp.float32),
            pltpu.VMEM((16, W), jnp.float32),
            pltpu.VMEM((16, W), jnp.float32),
            pltpu.VMEM((16, W), jnp.float32),
        ],
    )


def kernel(faces, textures):
    B, F = faces.shape[0], faces.shape[1]
    T = textures.shape[-1]
    faces = faces.astype(jnp.float32)
    x0 = faces[:, :, 0, 0]
    y0 = faces[:, :, 0, 1]
    z0 = faces[:, :, 0, 2]
    x1 = faces[:, :, 1, 0]
    y1 = faces[:, :, 1, 1]
    z1 = faces[:, :, 1, 2]
    x2 = faces[:, :, 2, 0]
    y2 = faces[:, :, 2, 1]
    z2 = faces[:, :, 2, 2]
    a0 = y1 - y2
    b0 = x2 - x1
    a1 = y2 - y0
    b1 = x0 - x2
    denom = a0 * (x0 - x2) + b0 * (y0 - y2)
    ok = jnp.abs(denom) > 1e-10
    safe = jnp.where(ok, denom, 1.0)
    sgn = jnp.where(safe >= 0, 1.0, -1.0).astype(jnp.float32)
    rsafe = 1.0 / safe
    rq0 = 1.0 / (safe * z0)
    rq1 = 1.0 / (safe * z1)
    rz2 = 1.0 / z2
    pad = 2.0 / W
    xmin = jnp.minimum(jnp.minimum(x0, x1), x2) - pad
    xmax = jnp.maximum(jnp.maximum(x0, x1), x2) + pad
    ymin = jnp.minimum(jnp.minimum(y0, y1), y2) - pad
    ymax = jnp.maximum(jnp.maximum(y0, y1), y2) + pad
    umin = (xmin * W + (W - 1.0)) * 0.5
    umax = (xmax * W + (W - 1.0)) * 0.5
    vmin = (ymin * H + (H - 1.0)) * 0.5
    vmax = (ymax * H + (H - 1.0)) * 0.5
    empty = ((vmax < 0.0) | (vmin > H - 1.0) | (umax < 0.0)
             | (umin > W - 1.0) | ~ok)
    r_lo = jnp.clip(vmin, 0.0, H - 1.0).astype(jnp.int32)
    r_hi = jnp.clip(vmax, 0.0, H - 1.0).astype(jnp.int32) + 1
    c_lo = jnp.clip(umin, 0.0, W - 1.0).astype(jnp.int32)
    c_lo = (c_lo >> 4) << 4
    c_hi = jnp.clip(umax, 0.0, W - 1.0).astype(jnp.int32) + 1
    ng = (c_hi - c_lo + 15) >> 4
    r_lo = jnp.where(empty, 0, r_lo)
    r_hi = jnp.where(empty, 0, r_hi)
    f32 = lambda v: v.astype(jnp.float32)
    tex = textures.astype(jnp.float32).reshape(B, F, 3 * T)
    rec = jnp.stack([a0, b0, a1, b1, x2, y2, sgn, rsafe, rq0, rq1, rz2,
                     f32(r_lo), f32(r_hi), f32(c_lo), f32(ng)], axis=-1)
    rec = jnp.concatenate(
        [rec, jnp.zeros((B, F, 1), jnp.float32), tex,
         jnp.zeros((B, F, REC - 25), jnp.float32)],
        axis=-1)
    feature, fidx, depth = _make_raster(B, F, T)(rec)
    return feature, fidx, depth

# --- scband reference (transcript-rebuilt; emitter-appended) ---
"""Pipeline reference for scband-rasterize-51908974739476 (READ-ONLY COPY).

The authoritative reference and input builder live on the scoring server;
editing this copy changes nothing except your own understanding.
"""

import jax, jax.numpy as jnp
import numpy as np

H = 256
W = 256
NEAR = 0.1
FAR = 100.0


def setup_inputs(seed: int = 0) -> dict:
    key = jax.random.key(seed)
    k1, k2, k3, k4, k5 = jax.random.split(key, 5)
    B, F, T = 2, 500, 3
    # triangle vertices: xy in NDC [-1,1], z in (near, far)
    centers = jax.random.uniform(k1, (B, F, 1, 2), minval=-1.0, maxval=1.0)
    offsets = jax.random.normal(k2, (B, F, 3, 2)) * 0.08
    xy = centers + offsets
    zc = jax.random.uniform(k3, (B, F, 1, 1), minval=1.0, maxval=50.0)
    z = zc + jax.random.normal(k4, (B, F, 3, 1)) * 0.01
    faces = jnp.concatenate([xy, z], axis=-1).astype(jnp.float32)  # [B,F,3,3]
    textures = jax.random.normal(k5, (B, F, 3, T), dtype=jnp.float32)  # per-face per-vertex features
    return {"faces": faces, "textures": textures}


def _rasterize_maps(faces):
    """z-buffer rasterization: per pixel nearest covering face + barycentric weights."""
    B, F = faces.shape[0], faces.shape[1]
    xi = (2.0 * jnp.arange(W, dtype=jnp.float32) + 1.0 - W) / W
    yi = (2.0 * jnp.arange(H, dtype=jnp.float32) + 1.0 - H) / H
    X = jnp.broadcast_to(xi[None, :], (H, W))
    Y = jnp.broadcast_to(yi[:, None], (H, W))

    depth0 = jnp.full((B, H, W), FAR, dtype=jnp.float32)
    idx0 = jnp.full((B, H, W), -1, dtype=jnp.int32)
    wmap0 = jnp.zeros((B, H, W, 3), dtype=jnp.float32)

    def body(carry, inp):
        depth, fidx, wmap = carry
        f_i, v = inp  # v: [B,3,3]
        x0 = v[:, 0, 0][:, None, None]; y0 = v[:, 0, 1][:, None, None]; z0 = v[:, 0, 2][:, None, None]
        x1 = v[:, 1, 0][:, None, None]; y1 = v[:, 1, 1][:, None, None]; z1 = v[:, 1, 2][:, None, None]
        x2 = v[:, 2, 0][:, None, None]; y2 = v[:, 2, 1][:, None, None]; z2 = v[:, 2, 2][:, None, None]
        denom = (y1 - y2) * (x0 - x2) + (x2 - x1) * (y0 - y2)
        safe = jnp.where(jnp.abs(denom) > 1e-10, denom, 1.0)
        w0 = ((y1 - y2) * (X - x2) + (x2 - x1) * (Y - y2)) / safe
        w1 = ((y2 - y0) * (X - x2) + (x0 - x2) * (Y - y2)) / safe
        w2 = 1.0 - w0 - w1
        inside = (w0 >= 0) & (w1 >= 0) & (w2 >= 0) & (jnp.abs(denom) > 1e-10)
        inv_z = w0 / z0 + w1 / z1 + w2 / z2
        inv_z = jnp.where(jnp.abs(inv_z) > 1e-10, inv_z, 1e-10)
        zp = 1.0 / inv_z
        valid = inside & (zp > NEAR) & (zp < FAR) & (zp < depth)
        # perspective-corrected barycentric weights for feature interpolation
        wc = jnp.stack([(w0 / z0) * zp, (w1 / z1) * zp, (w2 / z2) * zp], axis=-1)
        new_depth = jnp.where(valid, zp, depth)
        new_fidx = jnp.where(valid, f_i, fidx)
        new_wmap = jnp.where(valid[..., None], wc, wmap)
        return (new_depth, new_fidx, new_wmap), None

    verts = jnp.transpose(faces, (1, 0, 2, 3))  # [F,B,3,3]
    fids = jnp.arange(F, dtype=jnp.int32)
    (depth, fidx, wmap), _ = jax.lax.scan(body, (depth0, idx0, wmap0), (fids, verts))
    return fidx, wmap, depth


def reference(faces, textures):
    fidx, wmap, depth = _rasterize_maps(faces)
    B, F, _, T = textures.shape
    safe_idx = jnp.clip(fidx, 0, F - 1)
    # gather per-pixel face textures: [B,H,W,3,T]
    tex = jnp.take_along_axis(textures, safe_idx.reshape(B, H * W, 1, 1), axis=1)
    tex = tex.reshape(B, H, W, 3, T)
    feat = jnp.einsum('bhwv,bhwvt->bhwt', wmap, tex)
    mask = (fidx >= 0).astype(jnp.float32)
    feat = feat * mask[..., None]
    feature_map = jnp.concatenate([feat, mask[..., None]], axis=-1)  # [B,H,W,T+1]
    feature = jnp.transpose(feature_map, (0, 3, 1, 2))  # [B,T+1,H,W]
    return feature, fidx, depth

if __name__ == "__main__":
    import jax
    _d = setup_inputs()
    print(jax.jit(kernel)(*tuple(_d.values())))

</pallas_src>

<mosaic_0001>
#map = affine_map<(d0, d1) -> (0, 0, 0)>
#map1 = affine_map<(d0, d1) -> (0, 0, 0, 0)>
module attributes {stable_mosaic.version = 14 : i64} {
  func.func @_raster_body(%arg0: i32, %arg1: i32, %arg2: memref<2x500x32xf32, #tpu.memory_space<hbm>>, %arg3: memref<2x4x256x256xf32, #tpu.memory_space<hbm>>, %arg4: memref<2x256x256xi32, #tpu.memory_space<hbm>>, %arg5: memref<2x256x256xf32, #tpu.memory_space<hbm>>, %arg6: memref<500x32xf32, #tpu.memory_space<vmem>>, %arg7: memref<256xf32, #tpu.memory_space<vmem>>, %arg8: memref<16x256xf32, #tpu.memory_space<vmem>>, %arg9: memref<16x256xi32, #tpu.memory_space<vmem>>, %arg10: memref<16x256xf32, #tpu.memory_space<vmem>>, %arg11: memref<16x256xf32, #tpu.memory_space<vmem>>, %arg12: memref<16x256xf32, #tpu.memory_space<vmem>>, %arg13: memref<16x256xf32, #tpu.memory_space<vmem>>) attributes {dimension_semantics = [#tpu.dimension_semantics<core_parallel>, #tpu.dimension_semantics<subcore_parallel>], iteration_bounds = array<i64: 2, 16>, scalar_prefetch = 0 : i64, scratch_operands = 8 : i64, tpu.core_type = #tpu.core_type<sc_vector_subcore>, window_params = [{transform_indices = #map}, {transform_indices = #map1}, {transform_indices = #map}, {transform_indices = #map}]} {
    "tpu.region"() ({
      %run_scoped3A_32 = tpu.sem_alloc : memref<!tpu.dma_semaphore, #tpu.memory_space<semaphore_mem>>
      %dma_start3A = arith.constant 0 : i32
      %dma_start3A_33 = arith.constant 0 : i32
      %dma_start3A_34 = tpu.memref_slice %arg2[%arg0, %dma_start3A, %dma_start3A_33] : memref<2x500x32xf32, #tpu.memory_space<hbm>> -> memref<1x500x32xf32, #tpu.memory_space<hbm>>
      %dma_start3A_35 = tpu.memref_squeeze %dma_start3A_34 : memref<1x500x32xf32, #tpu.memory_space<hbm>> -> memref<500x32xf32, #tpu.memory_space<hbm>>
      %dma_start3A_36 = arith.constant 0 : i32
      %dma_start3A_37 = arith.constant 0 : i32
      %dma_start3A_38 = tpu.memref_slice %arg2[%arg0, %dma_start3A_36, %dma_start3A_37] : memref<2x500x32xf32, #tpu.memory_space<hbm>> -> memref<1x500x32xf32, #tpu.memory_space<hbm>>
      %dma_start3A_39 = tpu.memref_squeeze %dma_start3A_38 : memref<1x500x32xf32, #tpu.memory_space<hbm>> -> memref<500x32xf32, #tpu.memory_space<hbm>>
      tpu.enqueue_dma source(%dma_start3A_39 : memref<500x32xf32, #tpu.memory_space<hbm>>) target(%arg6 : memref<500x32xf32, #tpu.memory_space<vmem>>) target_semaphore(%run_scoped3A_32 : memref<!tpu.dma_semaphore, #tpu.memory_space<semaphore_mem>>)
      %dma_wait3A = arith.constant 0 : i32
      %dma_wait3A_40 = arith.constant 0 : i32
      %dma_wait3A_41 = tpu.memref_slice %arg2[%arg0, %dma_wait3A, %dma_wait3A_40] : memref<2x500x32xf32, #tpu.memory_space<hbm>> -> memref<1x500x32xf32, #tpu.memory_space<hbm>>
      %dma_wait3A_42 = tpu.memref_squeeze %dma_wait3A_41 : memref<1x500x32xf32, #tpu.memory_space<hbm>> -> memref<500x32xf32, #tpu.memory_space<hbm>>
      %dma_wait3A_43 = arith.constant 0 : i32
      %dma_wait3A_44 = arith.constant 0 : i32
      %dma_wait3A_45 = tpu.memref_slice %arg2[%arg0, %dma_wait3A_43, %dma_wait3A_44] : memref<2x500x32xf32, #tpu.memory_space<hbm>> -> memref<1x500x32xf32, #tpu.memory_space<hbm>>
      %dma_wait3A_46 = tpu.memref_squeeze %dma_wait3A_45 : memref<1x500x32xf32, #tpu.memory_space<hbm>> -> memref<500x32xf32, #tpu.memory_space<hbm>>
      tpu.wait_dma2 semaphore(%run_scoped3A_32 : memref<!tpu.dma_semaphore, #tpu.memory_space<semaphore_mem>>) src(%dma_wait3A_46 : memref<500x32xf32, #tpu.memory_space<hbm>>) dst(%arg6 : memref<500x32xf32, #tpu.memory_space<vmem>>)
      tpu.yield
    }) : () -> ()
    %broadcast_in_dim3A = arith.constant 1.000000e+02 : f32
    %broadcast_in_dim3A_0 = vector.broadcast %broadcast_in_dim3A : f32 to vector<16xf32>
    %broadcast_in_dim3A_1 = arith.constant -1 : i32
    %broadcast_in_dim3A_2 = vector.broadcast %broadcast_in_dim3A_1 : i32 to vector<16xi32>
    %broadcast_in_dim3A_3 = arith.constant 0.000000e+00 : f32
    %broadcast_in_dim3A_4 = vector.broadcast %broadcast_in_dim3A_3 : f32 to vector<16xf32>
    %iota3A = tpu.iota {dimensions = array<i32: 0>} : vector<16xi32>
    %scan3A = arith.constant 0 : i32
    %scan3A_5 = arith.constant 0 : i32
    %scan3A_6 = arith.constant 256 : i32
    %scan3A_7 = arith.addi %scan3A_5, %scan3A_6 : i32
    %scan3A_8 = arith.constant 1 : i32
    scf.for %scan3A_32 = %scan3A_5 to %scan3A_7 step %scan3A_8  : i32 {
      %shift_right_arithmetic3A = arith.constant 4 : i32
      %shift_right_arithmetic3A_33 = arith.shrsi %scan3A_32, %shift_right_arithmetic3A : i32
      %and3A = arith.constant 15 : i32
      %and3A_34 = arith.andi %scan3A_32, %and3A : i32
      %mul3A_35 = arith.constant 16 : i32
      %mul3A_36 = arith.muli %and3A_34, %mul3A_35 : i32
      %multiple_of3A = tpu.assume_multiple %mul3A_36, 16 : i32
      %swap3A = arith.index_cast %shift_right_arithmetic3A_33 : i32 to index
      %swap3A_37 = arith.index_cast %multiple_of3A : i32 to index
      %swap3A_38 = tpu.vector_load %arg8[%swap3A, %swap3A_37] {strides = array<i32>} : memref<16x256xf32, #tpu.memory_space<vmem>>, vector<1x16xf32>,
      %swap3A_39 = vector.shape_cast %swap3A_38 : vector<1x16xf32> to vector<16xf32>
      %swap3A_40 = vector.shape_cast %broadcast_in_dim3A_0 : vector<16xf32> to vector<1x16xf32>
      tpu.vector_store %arg8[%swap3A, %swap3A_37], %swap3A_40 {strides = array<i32>} : memref<16x256xf32, #tpu.memory_space<vmem>>, vector<1x16xf32>,
      %swap3A_41 = arith.index_cast %shift_right_arithmetic3A_33 : i32 to index
      %swap3A_42 = arith.index_cast %multiple_of3A : i32 to index
      %swap3A_43 = tpu.vector_load %arg9[%swap3A_41, %swap3A_42] {strides = array<i32>} : memref<16x256xi32, #tpu.memory_space<vmem>>, vector<1x16xi32>,
      %swap3A_44 = vector.shape_cast %swap3A_43 : vector<1x16xi32> to vector<16xi32>
      %swap3A_45 = vector.shape_cast %broadcast_in_dim3A_2 : vector<16xi32> to vector<1x16xi32>
      tpu.vector_store %arg9[%swap3A_41, %swap3A_42], %swap3A_45 {strides = array<i32>} : memref<16x256xi32, #tpu.memory_space<vmem>>, vector<1x16xi32>,
      %swap3A_46 = arith.index_cast %shift_right_arithmetic3A_33 : i32 to index
      %swap3A_47 = arith.index_cast %multiple_of3A : i32 to index
      %swap3A_48 = tpu.vector_load %arg10[%swap3A_46, %swap3A_47] {strides = array<i32>} : memref<16x256xf32, #tpu.memory_space<vmem>>, vector<1x16xf32>,
      %swap3A_49 = vector.shape_cast %swap3A_48 : vector<1x16xf32> to vector<16xf32>
      %swap3A_50 = vector.shape_cast %broadcast_in_dim3A_4 : vector<16xf32> to vector<1x16xf32>
      tpu.vector_store %arg10[%swap3A_46, %swap3A_47], %swap3A_50 {strides = array<i32>} : memref<16x256xf32, #tpu.memory_space<vmem>>, vector<1x16xf32>,
      %swap3A_51 = arith.index_cast %shift_right_arithmetic3A_33 : i32 to index
      %swap3A_52 = arith.index_cast %multiple_of3A : i32 to index
      %swap3A_53 = tpu.vector_load %arg11[%swap3A_51, %swap3A_52] {strides = array<i32>} : memref<16x256xf32, #tpu.memory_space<vmem>>, vector<1x16xf32>,
      %swap3A_54 = vector.shape_cast %swap3A_53 : vector<1x16xf32> to vector<16xf32>
      %swap3A_55 = vector.shape_cast %broadcast_in_dim3A_4 : vector<16xf32> to vector<1x16xf32>
      tpu.vector_store %arg11[%swap3A_51, %swap3A_52], %swap3A_55 {strides = array<i32>} : memref<16x256xf32, #tpu.memory_space<vmem>>, vector<1x16xf32>,
      %swap3A_56 = arith.index_cast %shift_right_arithmetic3A_33 : i32 to index
      %swap3A_57 = arith.index_cast %multiple_of3A : i32 to index
      %swap3A_58 = tpu.vector_load %arg12[%swap3A_56, %swap3A_57] {strides = array<i32>} : memref<16x256xf32, #tpu.memory_space<vmem>>, vector<1x16xf32>,
      %swap3A_59 = vector.shape_cast %swap3A_58 : vector<1x16xf32> to vector<16xf32>
      %swap3A_60 = vector.shape_cast %broadcast_in_dim3A_4 : vector<16xf32> to vector<1x16xf32>
      tpu.vector_store %arg12[%swap3A_56, %swap3A_57], %swap3A_60 {strides = array<i32>} : memref<16x256xf32, #tpu.memory_space<vmem>>, vector<1x16xf32>,
    }
    %scan3A_9 = arith.constant 256 : i32
    %scan3A_10 = arith.constant 0 : i32
    %scan3A_11 = arith.constant 0 : i32
    %scan3A_12 = arith.constant 16 : i32
    %scan3A_13 = arith.addi %scan3A_11, %scan3A_12 : i32
    %scan3A_14 = arith.constant 1 : i32
    scf.for %scan3A_32 = %scan3A_11 to %scan3A_13 step %scan3A_14  : i32 {
      %mul3A_33 = arith.constant 16 : i32
      %mul3A_34 = arith.muli %scan3A_32, %mul3A_33 : i32
      %multiple_of3A = tpu.assume_multiple %mul3A_34, 16 : i32
      %add3A = vector.broadcast %multiple_of3A : i32 to vector<16xi32>
      %add3A_35 = arith.addi %add3A, %iota3A : vector<16xi32>
      %convert_element_type3A = arith.sitofp %add3A_35 : vector<16xi32> to vector<16xf32>
      %mul3A_36 = arith.constant 2.000000e+00 : f32
      %mul3A_37 = vector.broadcast %mul3A_36 : f32 to vector<16xf32>
      %mul3A_38 = arith.mulf %convert_element_type3A, %mul3A_37 : vector<16xf32>
      %add3A_39 = arith.constant -2.550000e+02 : f32
      %add3A_40 = vector.broadcast %add3A_39 : f32 to vector<16xf32>
      %add3A_41 = arith.addf %mul3A_38, %add3A_40 : vector<16xf32>
      %mul3A_42 = arith.constant 3.906250e-03 : f32
      %mul3A_43 = vector.broadcast %mul3A_42 : f32 to vector<16xf32>
      %mul3A_44 = arith.mulf %add3A_41, %mul3A_43 : vector<16xf32>
      %swap3A = arith.index_cast %multiple_of3A : i32 to index
      %swap3A_45 = tpu.vector_load %arg7[%swap3A] {strides = array<i32>} : memref<256xf32, #tpu.memory_space<vmem>>, vector<16xf32>,
      %swap3A_46 = vector.shape_cast %swap3A_45 : vector<16xf32> to vector<16xf32>
      %swap3A_47 = vector.shape_cast %mul3A_44 : vector<16xf32> to vector<16xf32>
      tpu.vector_store %arg7[%swap3A], %swap3A_47 {strides = array<i32>} : memref<256xf32, #tpu.memory_space<vmem>>, vector<16xf32>,
    }
    %scan3A_15 = arith.constant 16 : i32
    %mul3A = arith.constant 16 : i32
    %mul3A_16 = arith.muli %arg1, %mul3A : i32
    %scan3A_17 = arith.constant 0 : i32
    %scan3A_18 = arith.constant 0 : i32
    %scan3A_19 = arith.constant 500 : i32
    %scan3A_20 = arith.addi %scan3A_18, %scan3A_19 : i32
    %scan3A_21 = arith.constant 1 : i32
    scf.for %scan3A_32 = %scan3A_18 to %scan3A_20 step %scan3A_21  : i32 {
      %get3A = arith.index_cast %scan3A_32 : i32 to index
      %get3A_33 = arith.constant 0 : index
      %get3A_34 = tpu.vector_load %arg6[%get3A, %get3A_33] {strides = array<i32>} : memref<500x32xf32, #tpu.memory_space<vmem>>, vector<1x16xf32>,
      %get3A_35 = vector.shape_cast %get3A_34 : vector<1x16xf32> to vector<16xf32>
      %get3A_36 = arith.index_cast %scan3A_32 : i32 to index
      %get3A_37 = arith.constant 16 : index
      %get3A_38 = tpu.vector_load %arg6[%get3A_36, %get3A_37] {strides = array<i32>} : memref<500x32xf32, #tpu.memory_space<vmem>>, vector<1x16xf32>,
      %get3A_39 = vector.shape_cast %get3A_38 : vector<1x16xf32> to vector<16xf32>
      %slice3A = vector.extract_strided_slice %get3A_35 {offsets = [11], sizes = [1], strides = [1]} : vector<16xf32> to vector<1xf32>
      %squeeze3A = vector.extract %slice3A[0] : f32 from vector<1xf32>
      %convert_element_type3A = arith.fptosi %squeeze3A : f32 to i32
      %slice3A_40 = vector.extract_strided_slice %get3A_35 {offsets = [12], sizes = [1], strides = [1]} : vector<16xf32> to vector<1xf32>
      %squeeze3A_41 = vector.extract %slice3A_40[0] : f32 from vector<1xf32>
      %convert_element_type3A_42 = arith.fptosi %squeeze3A_41 : f32 to i32
      %slice3A_43 = vector.extract_strided_slice %get3A_35 {offsets = [13], sizes = [1], strides = [1]} : vector<16xf32> to vector<1xf32>
      %squeeze3A_44 = vector.extract %slice3A_43[0] : f32 from vector<1xf32>
      %convert_element_type3A_45 = arith.fptosi %squeeze3A_44 : f32 to i32
      %slice3A_46 = vector.extract_strided_slice %get3A_35 {offsets = [14], sizes = [1], strides = [1]} : vector<16xf32> to vector<1xf32>
      %squeeze3A_47 = vector.extract %slice3A_46[0] : f32 from vector<1xf32>
      %convert_element_type3A_48 = arith.fptosi %squeeze3A_47 : f32 to i32
      %max3A = arith.maxsi %convert_element_type3A, %mul3A_16 : i32
      %add3A = arith.constant 16 : i32
      %add3A_49 = arith.addi %mul3A_16, %add3A : i32
      %min3A = arith.minsi %convert_element_type3A_42, %add3A_49 : i32
      %sub3A = arith.subi %min3A, %max3A : i32
      %sub3A_50 = arith.subi %max3A, %mul3A_16 : i32
      %gt3A = arith.constant 0 : i32
      %gt3A_51 = arith.cmpi sgt, %sub3A, %gt3A : i32
      %convert_element_type3A_52 = arith.extui %gt3A_51 : i1 to i32
      %cond3A = arith.constant 0 : i32
      %cond3A_53 = arith.cmpi ne, %convert_element_type3A_52, %cond3A : i32
      scf.if %cond3A_53 {
        %slice3A_54 = vector.extract_strided_slice %get3A_35 {offsets = [0], sizes = [1], strides = [1]} : vector<16xf32> to vector<1xf32>
        %squeeze3A_55 = vector.extract %slice3A_54[0] : f32 from vector<1xf32>
        %slice3A_56 = vector.extract_strided_slice %get3A_35 {offsets = [1], sizes = [1], strides = [1]} : vector<16xf32> to vector<1xf32>
        %squeeze3A_57 = vector.extract %slice3A_56[0] : f32 from vector<1xf32>
        %slice3A_58 = vector.extract_strided_slice %get3A_35 {offsets = [2], sizes = [1], strides = [1]} : vector<16xf32> to vector<1xf32>
        %squeeze3A_59 = vector.extract %slice3A_58[0] : f32 from vector<1xf32>
        %slice3A_60 = vector.extract_strided_slice %get3A_35 {offsets = [3], sizes = [1], strides = [1]} : vector<16xf32> to vector<1xf32>
        %squeeze3A_61 = vector.extract %slice3A_60[0] : f32 from vector<1xf32>
        %slice3A_62 = vector.extract_strided_slice %get3A_35 {offsets = [4], sizes = [1], strides = [1]} : vector<16xf32> to vector<1xf32>
        %squeeze3A_63 = vector.extract %slice3A_62[0] : f32 from vector<1xf32>
        %slice3A_64 = vector.extract_strided_slice %get3A_35 {offsets = [5], sizes = [1], strides = [1]} : vector<16xf32> to vector<1xf32>
        %squeeze3A_65 = vector.extract %slice3A_64[0] : f32 from vector<1xf32>
        %slice3A_66 = vector.extract_strided_slice %get3A_35 {offsets = [6], sizes = [1], strides = [1]} : vector<16xf32> to vector<1xf32>
        %squeeze3A_67 = vector.extract %slice3A_66[0] : f32 from vector<1xf32>
        %slice3A_68 = vector.extract_strided_slice %get3A_35 {offsets = [7], sizes = [1], strides = [1]} : vector<16xf32> to vector<1xf32>
        %squeeze3A_69 = vector.extract %slice3A_68[0] : f32 from vector<1xf32>
        %slice3A_70 = vector.extract_strided_slice %get3A_35 {offsets = [8], sizes = [1], strides = [1]} : vector<16xf32> to vector<1xf32>
        %squeeze3A_71 = vector.extract %slice3A_70[0] : f32 from vector<1xf32>
        %slice3A_72 = vector.extract_strided_slice %get3A_35 {offsets = [9], sizes = [1], strides = [1]} : vector<16xf32> to vector<1xf32>
        %squeeze3A_73 = vector.extract %slice3A_72[0] : f32 from vector<1xf32>
        %slice3A_74 = vector.extract_strided_slice %get3A_35 {offsets = [10], sizes = [1], strides = [1]} : vector<16xf32> to vector<1xf32>
        %squeeze3A_75 = vector.extract %slice3A_74[0] : f32 from vector<1xf32>
        %broadcast_in_dim3A_76 = vector.broadcast %squeeze3A_65 : f32 to vector<16xf32>
        %slice3A_77 = vector.extract_strided_slice %get3A_39 {offsets = [0], sizes = [1], strides = [1]} : vector<16xf32> to vector<1xf32>
        %squeeze3A_78 = vector.extract %slice3A_77[0] : f32 from vector<1xf32>
        %slice3A_79 = vector.extract_strided_slice %get3A_39 {offsets = [1], sizes = [1], strides = [1]} : vector<16xf32> to vector<1xf32>
        %squeeze3A_80 = vector.extract %slice3A_79[0] : f32 from vector<1xf32>
        %slice3A_81 = vector.extract_strided_slice %get3A_39 {offsets = [2], sizes = [1], strides = [1]} : vector<16xf32> to vector<1xf32>
        %squeeze3A_82 = vector.extract %slice3A_81[0] : f32 from vector<1xf32>
        %slice3A_83 = vector.extract_strided_slice %get3A_39 {offsets = [3], sizes = [1], strides = [1]} : vector<16xf32> to vector<1xf32>
        %squeeze3A_84 = vector.extract %slice3A_83[0] : f32 from vector<1xf32>
        %slice3A_85 = vector.extract_strided_slice %get3A_39 {offsets = [4], sizes = [1], strides = [1]} : vector<16xf32> to vector<1xf32>
        %squeeze3A_86 = vector.extract %slice3A_85[0] : f32 from vector<1xf32>
        %slice3A_87 = vector.extract_strided_slice %get3A_39 {offsets = [5], sizes = [1], strides = [1]} : vector<16xf32> to vector<1xf32>
        %squeeze3A_88 = vector.extract %slice3A_87[0] : f32 from vector<1xf32>
        %slice3A_89 = vector.extract_strided_slice %get3A_39 {offsets = [6], sizes = [1], strides = [1]} : vector<16xf32> to vector<1xf32>
        %squeeze3A_90 = vector.extract %slice3A_89[0] : f32 from vector<1xf32>
        %slice3A_91 = vector.extract_strided_slice %get3A_39 {offsets = [7], sizes = [1], strides = [1]} : vector<16xf32> to vector<1xf32>
        %squeeze3A_92 = vector.extract %slice3A_91[0] : f32 from vector<1xf32>
        %slice3A_93 = vector.extract_strided_slice %get3A_39 {offsets = [8], sizes = [1], strides = [1]} : vector<16xf32> to vector<1xf32>
        %squeeze3A_94 = vector.extract %slice3A_93[0] : f32 from vector<1xf32>
        %broadcast_in_dim3A_95 = vector.broadcast %scan3A_32 : i32 to vector<16xi32>
        %parallel_loop3A = arith.constant 0 : i32
        %parallel_loop3A_96 = arith.constant 1 : i32
        scf.for %parallel_loop3A_97 = %parallel_loop3A to %convert_element_type3A_48 step %parallel_loop3A_96  : i32 {
          %parallel_loop3A_98 = arith.constant 16 : i32
          %parallel_loop3A_99 = arith.muli %parallel_loop3A_97, %parallel_loop3A_98 : i32
          %parallel_loop3A_100 = arith.addi %convert_element_type3A_45, %parallel_loop3A_99 : i32
          %parallel_loop3A_101 = tpu.assume_multiple %parallel_loop3A_100, 16 : i32
          %parallel_loop3A_102 = arith.index_cast %parallel_loop3A_101 : i32 to index
          %parallel_loop3A_103 = tpu.vector_load %arg7[%parallel_loop3A_102] {strides = array<i32>} : memref<256xf32, #tpu.memory_space<vmem>>, vector<16xf32>,
          %parallel_loop3A_104 = vector.shape_cast %parallel_loop3A_103 : vector<16xf32> to vector<16xf32>
          %parallel_loop3A_105 = vector.broadcast %squeeze3A_63 : f32 to vector<16xf32>
          %parallel_loop3A_106 = arith.subf %parallel_loop3A_104, %parallel_loop3A_105 : vector<16xf32>
          %parallel_loop3A_107 = vector.broadcast %squeeze3A_55 : f32 to vector<16xf32>
          %parallel_loop3A_108 = arith.mulf %parallel_loop3A_107, %parallel_loop3A_106 : vector<16xf32>
          %parallel_loop3A_109 = vector.broadcast %squeeze3A_59 : f32 to vector<16xf32>
          %parallel_loop3A_110 = arith.mulf %parallel_loop3A_109, %parallel_loop3A_106 : vector<16xf32>
          %parallel_loop3A_111 = arith.constant 0 : i32
          %parallel_loop3A_112 = arith.constant 1 : i32
          scf.for %parallel_loop3A_113 = %parallel_loop3A_111 to %sub3A step %parallel_loop3A_112  : i32 {
            %parallel_loop3A_114 = arith.addi %max3A, %parallel_loop3A_113 : i32
            %parallel_loop3A_115 = arith.addi %sub3A_50, %parallel_loop3A_113 : i32
            %parallel_loop3A_116 = arith.sitofp %parallel_loop3A_114 : i32 to f32
            %parallel_loop3A_117 = arith.constant 2.000000e+00 : f32
            %parallel_loop3A_118 = arith.mulf %parallel_loop3A_116, %parallel_loop3A_117 : f32
            %parallel_loop3A_119 = arith.constant -2.550000e+02 : f32
            %parallel_loop3A_120 = arith.addf %parallel_loop3A_118, %parallel_loop3A_119 : f32
            %parallel_loop3A_121 = arith.constant 3.906250e-03 : f32
            %parallel_loop3A_122 = arith.mulf %parallel_loop3A_120, %parallel_loop3A_121 : f32
            %parallel_loop3A_123 = vector.broadcast %parallel_loop3A_122 : f32 to vector<16xf32>
            %parallel_loop3A_124 = arith.subf %parallel_loop3A_123, %broadcast_in_dim3A_76 : vector<16xf32>
            %parallel_loop3A_125 = vector.broadcast %squeeze3A_57 : f32 to vector<16xf32>
            %parallel_loop3A_126 = arith.mulf %parallel_loop3A_125, %parallel_loop3A_124 : vector<16xf32>
            %parallel_loop3A_127 = arith.addf %parallel_loop3A_108, %parallel_loop3A_126 : vector<16xf32>
            %parallel_loop3A_128 = vector.broadcast %squeeze3A_61 : f32 to vector<16xf32>
            %parallel_loop3A_129 = arith.mulf %parallel_loop3A_128, %parallel_loop3A_124 : vector<16xf32>
            %parallel_loop3A_130 = arith.addf %parallel_loop3A_110, %parallel_loop3A_129 : vector<16xf32>
            %parallel_loop3A_131 = vector.broadcast %squeeze3A_69 : f32 to vector<16xf32>
            %parallel_loop3A_132 = arith.mulf %parallel_loop3A_127, %parallel_loop3A_131 : vector<16xf32>
            %parallel_loop3A_133 = vector.broadcast %squeeze3A_69 : f32 to vector<16xf32>
            %parallel_loop3A_134 = arith.mulf %parallel_loop3A_130, %parallel_loop3A_133 : vector<16xf32>
            %parallel_loop3A_135 = arith.constant 1.000000e+00 : f32
            %parallel_loop3A_136 = vector.broadcast %parallel_loop3A_135 : f32 to vector<16xf32>
            %parallel_loop3A_137 = arith.subf %parallel_loop3A_136, %parallel_loop3A_132 : vector<16xf32>
            %parallel_loop3A_138 = arith.subf %parallel_loop3A_137, %parallel_loop3A_134 : vector<16xf32>
            %parallel_loop3A_139 = vector.broadcast %squeeze3A_67 : f32 to vector<16xf32>
            %parallel_loop3A_140 = arith.mulf %parallel_loop3A_127, %parallel_loop3A_139 : vector<16xf32>
            %parallel_loop3A_141 = arith.constant 0.000000e+00 : f32
            %parallel_loop3A_142 = vector.broadcast %parallel_loop3A_141 : f32 to vector<16xf32>
            %parallel_loop3A_143 = arith.cmpf oge, %parallel_loop3A_140, %parallel_loop3A_142 : vector<16xf32>
            %parallel_loop3A_144 = vector.broadcast %squeeze3A_67 : f32 to vector<16xf32>
            %parallel_loop3A_145 = arith.mulf %parallel_loop3A_130, %parallel_loop3A_144 : vector<16xf32>
            %parallel_loop3A_146 = arith.constant 0.000000e+00 : f32
            %parallel_loop3A_147 = vector.broadcast %parallel_loop3A_146 : f32 to vector<16xf32>
            %parallel_loop3A_148 = arith.cmpf oge, %parallel_loop3A_145, %parallel_loop3A_147 : vector<16xf32>
            %parallel_loop3A_149 = arith.andi %parallel_loop3A_143, %parallel_loop3A_148 : vector<16xi1>
            %parallel_loop3A_150 = arith.constant 0.000000e+00 : f32
            %parallel_loop3A_151 = vector.broadcast %parallel_loop3A_150 : f32 to vector<16xf32>
            %parallel_loop3A_152 = arith.cmpf oge, %parallel_loop3A_138, %parallel_loop3A_151 : vector<16xf32>
            %parallel_loop3A_153 = arith.andi %parallel_loop3A_149, %parallel_loop3A_152 : vector<16xi1>
            %parallel_loop3A_154 = vector.broadcast %squeeze3A_71 : f32 to vector<16xf32>
            %parallel_loop3A_155 = arith.mulf %parallel_loop3A_127, %parallel_loop3A_154 : vector<16xf32>
            %parallel_loop3A_156 = vector.broadcast %squeeze3A_73 : f32 to vector<16xf32>
            %parallel_loop3A_157 = arith.mulf %parallel_loop3A_130, %parallel_loop3A_156 : vector<16xf32>
            %parallel_loop3A_158 = vector.broadcast %squeeze3A_75 : f32 to vector<16xf32>
            %parallel_loop3A_159 = arith.mulf %parallel_loop3A_138, %parallel_loop3A_158 : vector<16xf32>
            %parallel_loop3A_160 = arith.addf %parallel_loop3A_155, %parallel_loop3A_157 : vector<16xf32>
            %parallel_loop3A_161 = arith.addf %parallel_loop3A_160, %parallel_loop3A_159 : vector<16xf32>
            %parallel_loop3A_162 = arith.constant 1.000000e+00 : f32
            %parallel_loop3A_163 = vector.broadcast %parallel_loop3A_162 : f32 to vector<16xf32>
            %parallel_loop3A_164 = arith.divf %parallel_loop3A_163, %parallel_loop3A_161 : vector<16xf32>
            %parallel_loop3A_165 = arith.index_cast %parallel_loop3A_115 : i32 to index
            %parallel_loop3A_166 = arith.index_cast %parallel_loop3A_101 : i32 to index
            %parallel_loop3A_167 = tpu.vector_load %arg8[%parallel_loop3A_165, %parallel_loop3A_166] {strides = array<i32>} : memref<16x256xf32, #tpu.memory_space<vmem>>, vector<1x16xf32>,
            %parallel_loop3A_168 = vector.shape_cast %parallel_loop3A_167 : vector<1x16xf32> to vector<16xf32>
            %parallel_loop3A_169 = arith.constant 1.000000e-01 : f32
            %parallel_loop3A_170 = vector.broadcast %parallel_loop3A_169 : f32 to vector<16xf32>
            %parallel_loop3A_171 = arith.cmpf ogt, %parallel_loop3A_164, %parallel_loop3A_170 : vector<16xf32>
            %parallel_loop3A_172 = arith.andi %parallel_loop3A_153, %parallel_loop3A_171 : vector<16xi1>
            %parallel_loop3A_173 = arith.cmpf olt, %parallel_loop3A_164, %parallel_loop3A_168 : vector<16xf32>
            %parallel_loop3A_174 = arith.andi %parallel_loop3A_172, %parallel_loop3A_173 : vector<16xi1>
            %parallel_loop3A_175 = arith.mulf %parallel_loop3A_155, %parallel_loop3A_164 : vector<16xf32>
            %parallel_loop3A_176 = arith.mulf %parallel_loop3A_157, %parallel_loop3A_164 : vector<16xf32>
            %parallel_loop3A_177 = arith.mulf %parallel_loop3A_159, %parallel_loop3A_164 : vector<16xf32>
            %parallel_loop3A_178 = arith.select %parallel_loop3A_174, %parallel_loop3A_164, %parallel_loop3A_168 : vector<16xi1>, vector<16xf32>
            %parallel_loop3A_179 = arith.index_cast %parallel_loop3A_115 : i32 to index
            %parallel_loop3A_180 = arith.index_cast %parallel_loop3A_101 : i32 to index
            %parallel_loop3A_181 = tpu.vector_load %arg8[%parallel_loop3A_179, %parallel_loop3A_180] {strides = array<i32>} : memref<16x256xf32, #tpu.memory_space<vmem>>, vector<1x16xf32>,
            %parallel_loop3A_182 = vector.shape_cast %parallel_loop3A_181 : vector<1x16xf32> to vector<16xf32>
            %parallel_loop3A_183 = vector.shape_cast %parallel_loop3A_178 : vector<16xf32> to vector<1x16xf32>
            tpu.vector_store %arg8[%parallel_loop3A_179, %parallel_loop3A_180], %parallel_loop3A_183 {strides = array<i32>} : memref<16x256xf32, #tpu.memory_space<vmem>>, vector<1x16xf32>,
            %parallel_loop3A_184 = arith.index_cast %parallel_loop3A_115 : i32 to index
            %parallel_loop3A_185 = arith.index_cast %parallel_loop3A_101 : i32 to index
            %parallel_loop3A_186 = tpu.vector_load %arg9[%parallel_loop3A_184, %parallel_loop3A_185] {strides = array<i32>} : memref<16x256xi32, #tpu.memory_space<vmem>>, vector<1x16xi32>,
            %parallel_loop3A_187 = vector.shape_cast %parallel_loop3A_186 : vector<1x16xi32> to vector<16xi32>
            %parallel_loop3A_188 = arith.select %parallel_loop3A_174, %broadcast_in_dim3A_95, %parallel_loop3A_187 : vector<16xi1>, vector<16xi32>
            %parallel_loop3A_189 = arith.index_cast %parallel_loop3A_115 : i32 to index
            %parallel_loop3A_190 = arith.index_cast %parallel_loop3A_101 : i32 to index
            %parallel_loop3A_191 = tpu.vector_load %arg9[%parallel_loop3A_189, %parallel_loop3A_190] {strides = array<i32>} : memref<16x256xi32, #tpu.memory_space<vmem>>, vector<1x16xi32>,
            %parallel_loop3A_192 = vector.shape_cast %parallel_loop3A_191 : vector<1x16xi32> to vector<16xi32>
            %parallel_loop3A_193 = vector.shape_cast %parallel_loop3A_188 : vector<16xi32> to vector<1x16xi32>
            tpu.vector_store %arg9[%parallel_loop3A_189, %parallel_loop3A_190], %parallel_loop3A_193 {strides = array<i32>} : memref<16x256xi32, #tpu.memory_space<vmem>>, vector<1x16xi32>,
            %parallel_loop3A_194 = vector.broadcast %squeeze3A_78 : f32 to vector<16xf32>
            %parallel_loop3A_195 = arith.mulf %parallel_loop3A_175, %parallel_loop3A_194 : vector<16xf32>
            %parallel_loop3A_196 = vector.broadcast %squeeze3A_84 : f32 to vector<16xf32>
            %parallel_loop3A_197 = arith.mulf %parallel_loop3A_176, %parallel_loop3A_196 : vector<16xf32>
            %parallel_loop3A_198 = arith.addf %parallel_loop3A_195, %parallel_loop3A_197 : vector<16xf32>
            %parallel_loop3A_199 = vector.broadcast %squeeze3A_90 : f32 to vector<16xf32>
            %parallel_loop3A_200 = arith.mulf %parallel_loop3A_177, %parallel_loop3A_199 : vector<16xf32>
            %parallel_loop3A_201 = arith.addf %parallel_loop3A_198, %parallel_loop3A_200 : vector<16xf32>
            %parallel_loop3A_202 = arith.index_cast %parallel_loop3A_115 : i32 to index
            %parallel_loop3A_203 = arith.index_cast %parallel_loop3A_101 : i32 to index
            %parallel_loop3A_204 = tpu.vector_load %arg10[%parallel_loop3A_202, %parallel_loop3A_203] {strides = array<i32>} : memref<16x256xf32, #tpu.memory_space<vmem>>, vector<1x16xf32>,
            %parallel_loop3A_205 = vector.shape_cast %parallel_loop3A_204 : vector<1x16xf32> to vector<16xf32>
            %parallel_loop3A_206 = arith.select %parallel_loop3A_174, %parallel_loop3A_201, %parallel_loop3A_205 : vector<16xi1>, vector<16xf32>
            %parallel_loop3A_207 = arith.index_cast %parallel_loop3A_115 : i32 to index
            %parallel_loop3A_208 = arith.index_cast %parallel_loop3A_101 : i32 to index
            %parallel_loop3A_209 = tpu.vector_load %arg10[%parallel_loop3A_207, %parallel_loop3A_208] {strides = array<i32>} : memref<16x256xf32, #tpu.memory_space<vmem>>, vector<1x16xf32>,
            %parallel_loop3A_210 = vector.shape_cast %parallel_loop3A_209 : vector<1x16xf32> to vector<16xf32>
            %parallel_loop3A_211 = vector.shape_cast %parallel_loop3A_206 : vector<16xf32> to vector<1x16xf32>
            tpu.vector_store %arg10[%parallel_loop3A_207, %parallel_loop3A_208], %parallel_loop3A_211 {strides = array<i32>} : memref<16x256xf32, #tpu.memory_space<vmem>>, vector<1x16xf32>,
            %parallel_loop3A_212 = vector.broadcast %squeeze3A_80 : f32 to vector<16xf32>
            %parallel_loop3A_213 = arith.mulf %parallel_loop3A_175, %parallel_loop3A_212 : vector<16xf32>
            %parallel_loop3A_214 = vector.broadcast %squeeze3A_86 : f32 to vector<16xf32>
            %parallel_loop3A_215 = arith.mulf %parallel_loop3A_176, %parallel_loop3A_214 : vector<16xf32>
            %parallel_loop3A_216 = arith.addf %parallel_loop3A_213, %parallel_loop3A_215 : vector<16xf32>
            %parallel_loop3A_217 = vector.broadcast %squeeze3A_92 : f32 to vector<16xf32>
            %parallel_loop3A_218 = arith.mulf %parallel_loop3A_177, %parallel_loop3A_217 : vector<16xf32>
            %parallel_loop3A_219 = arith.addf %parallel_loop3A_216, %parallel_loop3A_218 : vector<16xf32>
            %parallel_loop3A_220 = arith.index_cast %parallel_loop3A_115 : i32 to index
            %parallel_loop3A_221 = arith.index_cast %parallel_loop3A_101 : i32 to index
            %parallel_loop3A_222 = tpu.vector_load %arg11[%parallel_loop3A_220, %parallel_loop3A_221] {strides = array<i32>} : memref<16x256xf32, #tpu.memory_space<vmem>>, vector<1x16xf32>,
            %parallel_loop3A_223 = vector.shape_cast %parallel_loop3A_222 : vector<1x16xf32> to vector<16xf32>
            %parallel_loop3A_224 = arith.select %parallel_loop3A_174, %parallel_loop3A_219, %parallel_loop3A_223 : vector<16xi1>, vector<16xf32>
            %parallel_loop3A_225 = arith.index_cast %parallel_loop3A_115 : i32 to index
            %parallel_loop3A_226 = arith.index_cast %parallel_loop3A_101 : i32 to index
            %parallel_loop3A_227 = tpu.vector_load %arg11[%parallel_loop3A_225, %parallel_loop3A_226] {strides = array<i32>} : memref<16x256xf32, #tpu.memory_space<vmem>>, vector<1x16xf32>,
            %parallel_loop3A_228 = vector.shape_cast %parallel_loop3A_227 : vector<1x16xf32> to vector<16xf32>
            %parallel_loop3A_229 = vector.shape_cast %parallel_loop3A_224 : vector<16xf32> to vector<1x16xf32>
            tpu.vector_store %arg11[%parallel_loop3A_225, %parallel_loop3A_226], %parallel_loop3A_229 {strides = array<i32>} : memref<16x256xf32, #tpu.memory_space<vmem>>, vector<1x16xf32>,
            %parallel_loop3A_230 = vector.broadcast %squeeze3A_82 : f32 to vector<16xf32>
            %parallel_loop3A_231 = arith.mulf %parallel_loop3A_175, %parallel_loop3A_230 : vector<16xf32>
            %parallel_loop3A_232 = vector.broadcast %squeeze3A_88 : f32 to vector<16xf32>
            %parallel_loop3A_233 = arith.mulf %parallel_loop3A_176, %parallel_loop3A_232 : vector<16xf32>
            %parallel_loop3A_234 = arith.addf %parallel_loop3A_231, %parallel_loop3A_233 : vector<16xf32>
            %parallel_loop3A_235 = vector.broadcast %squeeze3A_94 : f32 to vector<16xf32>
            %parallel_loop3A_236 = arith.mulf %parallel_loop3A_177, %parallel_loop3A_235 : vector<16xf32>
            %parallel_loop3A_237 = arith.addf %parallel_loop3A_234, %parallel_loop3A_236 : vector<16xf32>
            %parallel_loop3A_238 = arith.index_cast %parallel_loop3A_115 : i32 to index
            %parallel_loop3A_239 = arith.index_cast %parallel_loop3A_101 : i32 to index
            %parallel_loop3A_240 = tpu.vector_load %arg12[%parallel_loop3A_238, %parallel_loop3A_239] {strides = array<i32>} : memref<16x256xf32, #tpu.memory_space<vmem>>, vector<1x16xf32>,
            %parallel_loop3A_241 = vector.shape_cast %parallel_loop3A_240 : vector<1x16xf32> to vector<16xf32>
            %parallel_loop3A_242 = arith.select %parallel_loop3A_174, %parallel_loop3A_237, %parallel_loop3A_241 : vector<16xi1>, vector<16xf32>
            %parallel_loop3A_243 = arith.index_cast %parallel_loop3A_115 : i32 to index
            %parallel_loop3A_244 = arith.index_cast %parallel_loop3A_101 : i32 to index
            %parallel_loop3A_245 = tpu.vector_load %arg12[%parallel_loop3A_243, %parallel_loop3A_244] {strides = array<i32>} : memref<16x256xf32, #tpu.memory_space<vmem>>, vector<1x16xf32>,
            %parallel_loop3A_246 = vector.shape_cast %parallel_loop3A_245 : vector<1x16xf32> to vector<16xf32>
            %parallel_loop3A_247 = vector.shape_cast %parallel_loop3A_242 : vector<16xf32> to vector<1x16xf32>
            tpu.vector_store %arg12[%parallel_loop3A_243, %parallel_loop3A_244], %parallel_loop3A_247 {strides = array<i32>} : memref<16x256xf32, #tpu.memory_space<vmem>>, vector<1x16xf32>,
          } {sc.loop_unroll_factor = 2 : i64, sc.parallel_access}
        } {sc.loop_unroll_factor = 1 : i64, sc.parallel_access}
      } else {
      }
    }
    %scan3A_22 = arith.constant 500 : i32
    %scan3A_23 = arith.constant 0 : i32
    %scan3A_24 = arith.constant 0 : i32
    %scan3A_25 = arith.constant 256 : i32
    %scan3A_26 = arith.addi %scan3A_24, %scan3A_25 : i32
    %scan3A_27 = arith.constant 1 : i32
    scf.for %scan3A_32 = %scan3A_24 to %scan3A_26 step %scan3A_27  : i32 {
      %shift_right_arithmetic3A = arith.constant 4 : i32
      %shift_right_arithmetic3A_33 = arith.shrsi %scan3A_32, %shift_right_arithmetic3A : i32
      %and3A = arith.constant 15 : i32
      %and3A_34 = arith.andi %scan3A_32, %and3A : i32
      %mul3A_35 = arith.constant 16 : i32
      %mul3A_36 = arith.muli %and3A_34, %mul3A_35 : i32
      %multiple_of3A = tpu.assume_multiple %mul3A_36, 16 : i32
      %get3A = arith.index_cast %shift_right_arithmetic3A_33 : i32 to index
      %get3A_37 = arith.index_cast %multiple_of3A : i32 to index
      %get3A_38 = tpu.vector_load %arg9[%get3A, %get3A_37] {strides = array<i32>} : memref<16x256xi32, #tpu.memory_space<vmem>>, vector<1x16xi32>,
      %get3A_39 = vector.shape_cast %get3A_38 : vector<1x16xi32> to vector<16xi32>
      %ge3A = arith.constant 0 : i32
      %ge3A_40 = vector.broadcast %ge3A : i32 to vector<16xi32>
      %ge3A_41 = arith.cmpi sge, %get3A_39, %ge3A_40 : vector<16xi32>
      %jit3A = arith.constant 1.000000e+00 : f32
      %jit3A_42 = arith.constant 0.000000e+00 : f32
      %broadcast_in_dim3A_43 = vector.broadcast %jit3A : f32 to vector<16xf32>
      %broadcast_in_dim3A_44 = vector.broadcast %jit3A_42 : f32 to vector<16xf32>
      %select_n3A = arith.select %ge3A_41, %broadcast_in_dim3A_43, %broadcast_in_dim3A_44 : vector<16xi1>, vector<16xf32>
      %swap3A = arith.index_cast %shift_right_arithmetic3A_33 : i32 to index
      %swap3A_45 = arith.index_cast %multiple_of3A : i32 to index
      %swap3A_46 = tpu.vector_load %arg13[%swap3A, %swap3A_45] {strides = array<i32>} : memref<16x256xf32, #tpu.memory_space<vmem>>, vector<1x16xf32>,
      %swap3A_47 = vector.shape_cast %swap3A_46 : vector<1x16xf32> to vector<16xf32>
      %swap3A_48 = vector.shape_cast %select_n3A : vector<16xf32> to vector<1x16xf32>
      tpu.vector_store %arg13[%swap3A, %swap3A_45], %swap3A_48 {strides = array<i32>} : memref<16x256xf32, #tpu.memory_space<vmem>>, vector<1x16xf32>,
    }
    %scan3A_28 = arith.constant 256 : i32
    %run_scoped3A = arith.constant 0 : i32
    "tpu.region"() ({
      %run_scoped3A_32 = tpu.sem_alloc : memref<!tpu.dma_semaphore, #tpu.memory_space<semaphore_mem>>
      %dma_start3A = arith.constant 0 : i32
      %dma_start3A_33 = tpu.memref_slice %arg3[%arg0, %run_scoped3A, %mul3A_16, %dma_start3A] : memref<2x4x256x256xf32, #tpu.memory_space<hbm>> -> memref<1x1x16x256xf32, #tpu.memory_space<hbm>>
      %dma_start3A_34 = tpu.memref_squeeze %dma_start3A_33 : memref<1x1x16x256xf32, #tpu.memory_space<hbm>> -> memref<16x256xf32, #tpu.memory_space<hbm>>
      %dma_start3A_35 = arith.constant 0 : i32
      %dma_start3A_36 = tpu.memref_slice %arg3[%arg0, %run_scoped3A, %mul3A_16, %dma_start3A_35] : memref<2x4x256x256xf32, #tpu.memory_space<hbm>> -> memref<1x1x16x256xf32, #tpu.memory_space<hbm>>
      %dma_start3A_37 = tpu.memref_squeeze %dma_start3A_36 : memref<1x1x16x256xf32, #tpu.memory_space<hbm>> -> memref<16x256xf32, #tpu.memory_space<hbm>>
      tpu.enqueue_dma source(%arg10 : memref<16x256xf32, #tpu.memory_space<vmem>>) target(%dma_start3A_37 : memref<16x256xf32, #tpu.memory_space<hbm>>) target_semaphore(%run_scoped3A_32 : memref<!tpu.dma_semaphore, #tpu.memory_space<semaphore_mem>>)
      %dma_wait3A = arith.constant 0 : i32
      %dma_wait3A_38 = tpu.memref_slice %arg3[%arg0, %run_scoped3A, %mul3A_16, %dma_wait3A] : memref<2x4x256x256xf32, #tpu.memory_space<hbm>> -> memref<1x1x16x256xf32, #tpu.memory_space<hbm>>
      %dma_wait3A_39 = tpu.memref_squeeze %dma_wait3A_38 : memref<1x1x16x256xf32, #tpu.memory_space<hbm>> -> memref<16x256xf32, #tpu.memory_space<hbm>>
      %dma_wait3A_40 = arith.constant 0 : i32
      %dma_wait3A_41 = tpu.memref_slice %arg3[%arg0, %run_scoped3A, %mul3A_16, %dma_wait3A_40] : memref<2x4x256x256xf32, #tpu.memory_space<hbm>> -> memref<1x1x16x256xf32, #tpu.memory_space<hbm>>
      %dma_wait3A_42 = tpu.memref_squeeze %dma_wait3A_41 : memref<1x1x16x256xf32, #tpu.memory_space<hbm>> -> memref<16x256xf32, #tpu.memory_space<hbm>>
      tpu.wait_dma2 semaphore(%run_scoped3A_32 : memref<!tpu.dma_semaphore, #tpu.memory_space<semaphore_mem>>) src(%arg10 : memref<16x256xf32, #tpu.memory_space<vmem>>) dst(%dma_wait3A_42 : memref<16x256xf32, #tpu.memory_space<hbm>>)
      tpu.yield
    }) : () -> ()
    %run_scoped3A_29 = arith.constant 1 : i32
    "tpu.region"() ({
      %run_scoped3A_32 = tpu.sem_alloc : memref<!tpu.dma_semaphore, #tpu.memory_space<semaphore_mem>>
      %dma_start3A = arith.constant 0 : i32
      %dma_start3A_33 = tpu.memref_slice %arg3[%arg0, %run_scoped3A_29, %mul3A_16, %dma_start3A] : memref<2x4x256x256xf32, #tpu.memory_space<hbm>> -> memref<1x1x16x256xf32, #tpu.memory_space<hbm>>
      %dma_start3A_34 = tpu.memref_squeeze %dma_start3A_33 : memref<1x1x16x256xf32, #tpu.memory_space<hbm>> -> memref<16x256xf32, #tpu.memory_space<hbm>>
      %dma_start3A_35 = arith.constant 0 : i32
      %dma_start3A_36 = tpu.memref_slice %arg3[%arg0, %run_scoped3A_29, %mul3A_16, %dma_start3A_35] : memref<2x4x256x256xf32, #tpu.memory_space<hbm>> -> memref<1x1x16x256xf32, #tpu.memory_space<hbm>>
      %dma_start3A_37 = tpu.memref_squeeze %dma_start3A_36 : memref<1x1x16x256xf32, #tpu.memory_space<hbm>> -> memref<16x256xf32, #tpu.memory_space<hbm>>
      tpu.enqueue_dma source(%arg11 : memref<16x256xf32, #tpu.memory_space<vmem>>) target(%dma_start3A_37 : memref<16x256xf32, #tpu.memory_space<hbm>>) target_semaphore(%run_scoped3A_32 : memref<!tpu.dma_semaphore, #tpu.memory_space<semaphore_mem>>)
      %dma_wait3A = arith.constant 0 : i32
      %dma_wait3A_38 = tpu.memref_slice %arg3[%arg0, %run_scoped3A_29, %mul3A_16, %dma_wait3A] : memref<2x4x256x256xf32, #tpu.memory_space<hbm>> -> memref<1x1x16x256xf32, #tpu.memory_space<hbm>>
      %dma_wait3A_39 = tpu.memref_squeeze %dma_wait3A_38 : memref<1x1x16x256xf32, #tpu.memory_space<hbm>> -> memref<16x256xf32, #tpu.memory_space<hbm>>
      %dma_wait3A_40 = arith.constant 0 : i32
      %dma_wait3A_41 = tpu.memref_slice %arg3[%arg0, %run_scoped3A_29, %mul3A_16, %dma_wait3A_40] : memref<2x4x256x256xf32, #tpu.memory_space<hbm>> -> memref<1x1x16x256xf32, #tpu.memory_space<hbm>>
      %dma_wait3A_42 = tpu.memref_squeeze %dma_wait3A_41 : memref<1x1x16x256xf32, #tpu.memory_space<hbm>> -> memref<16x256xf32, #tpu.memory_space<hbm>>
      tpu.wait_dma2 semaphore(%run_scoped3A_32 : memref<!tpu.dma_semaphore, #tpu.memory_space<semaphore_mem>>) src(%arg11 : memref<16x256xf32, #tpu.memory_space<vmem>>) dst(%dma_wait3A_42 : memref<16x256xf32, #tpu.memory_space<hbm>>)
      tpu.yield
    }) : () -> ()
    %run_scoped3A_30 = arith.constant 2 : i32
    "tpu.region"() ({
      %run_scoped3A_32 = tpu.sem_alloc : memref<!tpu.dma_semaphore, #tpu.memory_space<semaphore_mem>>
      %dma_start3A = arith.constant 0 : i32
      %dma_start3A_33 = tpu.memref_slice %arg3[%arg0, %run_scoped3A_30, %mul3A_16, %dma_start3A] : memref<2x4x256x256xf32, #tpu.memory_space<hbm>> -> memref<1x1x16x256xf32, #tpu.memory_space<hbm>>
      %dma_start3A_34 = tpu.memref_squeeze %dma_start3A_33 : memref<1x1x16x256xf32, #tpu.memory_space<hbm>> -> memref<16x256xf32, #tpu.memory_space<hbm>>
      %dma_start3A_35 = arith.constant 0 : i32
      %dma_start3A_36 = tpu.memref_slice %arg3[%arg0, %run_scoped3A_30, %mul3A_16, %dma_start3A_35] : memref<2x4x256x256xf32, #tpu.memory_space<hbm>> -> memref<1x1x16x256xf32, #tpu.memory_space<hbm>>
      %dma_start3A_37 = tpu.memref_squeeze %dma_start3A_36 : memref<1x1x16x256xf32, #tpu.memory_space<hbm>> -> memref<16x256xf32, #tpu.memory_space<hbm>>
      tpu.enqueue_dma source(%arg12 : memref<16x256xf32, #tpu.memory_space<vmem>>) target(%dma_start3A_37 : memref<16x256xf32, #tpu.memory_space<hbm>>) target_semaphore(%run_scoped3A_32 : memref<!tpu.dma_semaphore, #tpu.memory_space<semaphore_mem>>)
      %dma_wait3A = arith.constant 0 : i32
      %dma_wait3A_38 = tpu.memref_slice %arg3[%arg0, %run_scoped3A_30, %mul3A_16, %dma_wait3A] : memref<2x4x256x256xf32, #tpu.memory_space<hbm>> -> memref<1x1x16x256xf32, #tpu.memory_space<hbm>>
      %dma_wait3A_39 = tpu.memref_squeeze %dma_wait3A_38 : memref<1x1x16x256xf32, #tpu.memory_space<hbm>> -> memref<16x256xf32, #tpu.memory_space<hbm>>
      %dma_wait3A_40 = arith.constant 0 : i32
      %dma_wait3A_41 = tpu.memref_slice %arg3[%arg0, %run_scoped3A_30, %mul3A_16, %dma_wait3A_40] : memref<2x4x256x256xf32, #tpu.memory_space<hbm>> -> memref<1x1x16x256xf32, #tpu.memory_space<hbm>>
      %dma_wait3A_42 = tpu.memref_squeeze %dma_wait3A_41 : memref<1x1x16x256xf32, #tpu.memory_space<hbm>> -> memref<16x256xf32, #tpu.memory_space<hbm>>
      tpu.wait_dma2 semaphore(%run_scoped3A_32 : memref<!tpu.dma_semaphore, #tpu.memory_space<semaphore_mem>>) src(%arg12 : memref<16x256xf32, #tpu.memory_space<vmem>>) dst(%dma_wait3A_42 : memref<16x256xf32, #tpu.memory_space<hbm>>)
      tpu.yield
    }) : () -> ()
    %run_scoped3A_31 = arith.constant 3 : i32
    "tpu.region"() ({
      %run_scoped3A_32 = tpu.sem_alloc : memref<!tpu.dma_semaphore, #tpu.memory_space<semaphore_mem>>
      %dma_start3A = arith.constant 0 : i32
      %dma_start3A_33 = tpu.memref_slice %arg3[%arg0, %run_scoped3A_31, %mul3A_16, %dma_start3A] : memref<2x4x256x256xf32, #tpu.memory_space<hbm>> -> memref<1x1x16x256xf32, #tpu.memory_space<hbm>>
      %dma_start3A_34 = tpu.memref_squeeze %dma_start3A_33 : memref<1x1x16x256xf32, #tpu.memory_space<hbm>> -> memref<16x256xf32, #tpu.memory_space<hbm>>
      %dma_start3A_35 = arith.constant 0 : i32
      %dma_start3A_36 = tpu.memref_slice %arg3[%arg0, %run_scoped3A_31, %mul3A_16, %dma_start3A_35] : memref<2x4x256x256xf32, #tpu.memory_space<hbm>> -> memref<1x1x16x256xf32, #tpu.memory_space<hbm>>
      %dma_start3A_37 = tpu.memref_squeeze %dma_start3A_36 : memref<1x1x16x256xf32, #tpu.memory_space<hbm>> -> memref<16x256xf32, #tpu.memory_space<hbm>>
      tpu.enqueue_dma source(%arg13 : memref<16x256xf32, #tpu.memory_space<vmem>>) target(%dma_start3A_37 : memref<16x256xf32, #tpu.memory_space<hbm>>) target_semaphore(%run_scoped3A_32 : memref<!tpu.dma_semaphore, #tpu.memory_space<semaphore_mem>>)
      %dma_wait3A = arith.constant 0 : i32
      %dma_wait3A_38 = tpu.memref_slice %arg3[%arg0, %run_scoped3A_31, %mul3A_16, %dma_wait3A] : memref<2x4x256x256xf32, #tpu.memory_space<hbm>> -> memref<1x1x16x256xf32, #tpu.memory_space<hbm>>
      %dma_wait3A_39 = tpu.memref_squeeze %dma_wait3A_38 : memref<1x1x16x256xf32, #tpu.memory_space<hbm>> -> memref<16x256xf32, #tpu.memory_space<hbm>>
      %dma_wait3A_40 = arith.constant 0 : i32
      %dma_wait3A_41 = tpu.memref_slice %arg3[%arg0, %run_scoped3A_31, %mul3A_16, %dma_wait3A_40] : memref<2x4x256x256xf32, #tpu.memory_space<hbm>> -> memref<1x1x16x256xf32, #tpu.memory_space<hbm>>
      %dma_wait3A_42 = tpu.memref_squeeze %dma_wait3A_41 : memref<1x1x16x256xf32, #tpu.memory_space<hbm>> -> memref<16x256xf32, #tpu.memory_space<hbm>>
      tpu.wait_dma2 semaphore(%run_scoped3A_32 : memref<!tpu.dma_semaphore, #tpu.memory_space<semaphore_mem>>) src(%arg13 : memref<16x256xf32, #tpu.memory_space<vmem>>) dst(%dma_wait3A_42 : memref<16x256xf32, #tpu.memory_space<hbm>>)
      tpu.yield
    }) : () -> ()
    "tpu.region"() ({
      %run_scoped3A_32 = tpu.sem_alloc : memref<!tpu.dma_semaphore, #tpu.memory_space<semaphore_mem>>
      %dma_start3A = arith.constant 0 : i32
      %dma_start3A_33 = tpu.memref_slice %arg4[%arg0, %mul3A_16, %dma_start3A] : memref<2x256x256xi32, #tpu.memory_space<hbm>> -> memref<1x16x256xi32, #tpu.memory_space<hbm>>
      %dma_start3A_34 = tpu.memref_squeeze %dma_start3A_33 : memref<1x16x256xi32, #tpu.memory_space<hbm>> -> memref<16x256xi32, #tpu.memory_space<hbm>>
      %dma_start3A_35 = arith.constant 0 : i32
      %dma_start3A_36 = tpu.memref_slice %arg4[%arg0, %mul3A_16, %dma_start3A_35] : memref<2x256x256xi32, #tpu.memory_space<hbm>> -> memref<1x16x256xi32, #tpu.memory_space<hbm>>
      %dma_start3A_37 = tpu.memref_squeeze %dma_start3A_36 : memref<1x16x256xi32, #tpu.memory_space<hbm>> -> memref<16x256xi32, #tpu.memory_space<hbm>>
      tpu.enqueue_dma source(%arg9 : memref<16x256xi32, #tpu.memory_space<vmem>>) target(%dma_start3A_37 : memref<16x256xi32, #tpu.memory_space<hbm>>) target_semaphore(%run_scoped3A_32 : memref<!tpu.dma_semaphore, #tpu.memory_space<semaphore_mem>>)
      %dma_wait3A = arith.constant 0 : i32
      %dma_wait3A_38 = tpu.memref_slice %arg4[%arg0, %mul3A_16, %dma_wait3A] : memref<2x256x256xi32, #tpu.memory_space<hbm>> -> memref<1x16x256xi32, #tpu.memory_space<hbm>>
      %dma_wait3A_39 = tpu.memref_squeeze %dma_wait3A_38 : memref<1x16x256xi32, #tpu.memory_space<hbm>> -> memref<16x256xi32, #tpu.memory_space<hbm>>
      %dma_wait3A_40 = arith.constant 0 : i32
      %dma_wait3A_41 = tpu.memref_slice %arg4[%arg0, %mul3A_16, %dma_wait3A_40] : memref<2x256x256xi32, #tpu.memory_space<hbm>> -> memref<1x16x256xi32, #tpu.memory_space<hbm>>
      %dma_wait3A_42 = tpu.memref_squeeze %dma_wait3A_41 : memref<1x16x256xi32, #tpu.memory_space<hbm>> -> memref<16x256xi32, #tpu.memory_space<hbm>>
      tpu.wait_dma2 semaphore(%run_scoped3A_32 : memref<!tpu.dma_semaphore, #tpu.memory_space<semaphore_mem>>) src(%arg9 : memref<16x256xi32, #tpu.memory_space<vmem>>) dst(%dma_wait3A_42 : memref<16x256xi32, #tpu.memory_space<hbm>>)
      tpu.yield
    }) : () -> ()
    "tpu.region"() ({
      %run_scoped3A_32 = tpu.sem_alloc : memref<!tpu.dma_semaphore, #tpu.memory_space<semaphore_mem>>
      %dma_start3A = arith.constant 0 : i32
      %dma_start3A_33 = tpu.memref_slice %arg5[%arg0, %mul3A_16, %dma_start3A] : memref<2x256x256xf32, #tpu.memory_space<hbm>> -> memref<1x16x256xf32, #tpu.memory_space<hbm>>
      %dma_start3A_34 = tpu.memref_squeeze %dma_start3A_33 : memref<1x16x256xf32, #tpu.memory_space<hbm>> -> memref<16x256xf32, #tpu.memory_space<hbm>>
      %dma_start3A_35 = arith.constant 0 : i32
      %dma_start3A_36 = tpu.memref_slice %arg5[%arg0, %mul3A_16, %dma_start3A_35] : memref<2x256x256xf32, #tpu.memory_space<hbm>> -> memref<1x16x256xf32, #tpu.memory_space<hbm>>
      %dma_start3A_37 = tpu.memref_squeeze %dma_start3A_36 : memref<1x16x256xf32, #tpu.memory_space<hbm>> -> memref<16x256xf32, #tpu.memory_space<hbm>>
      tpu.enqueue_dma source(%arg8 : memref<16x256xf32, #tpu.memory_space<vmem>>) target(%dma_start3A_37 : memref<16x256xf32, #tpu.memory_space<hbm>>) target_semaphore(%run_scoped3A_32 : memref<!tpu.dma_semaphore, #tpu.memory_space<semaphore_mem>>)
      %dma_wait3A = arith.constant 0 : i32
      %dma_wait3A_38 = tpu.memref_slice %arg5[%arg0, %mul3A_16, %dma_wait3A] : memref<2x256x256xf32, #tpu.memory_space<hbm>> -> memref<1x16x256xf32, #tpu.memory_space<hbm>>
      %dma_wait3A_39 = tpu.memref_squeeze %dma_wait3A_38 : memref<1x16x256xf32, #tpu.memory_space<hbm>> -> memref<16x256xf32, #tpu.memory_space<hbm>>
      %dma_wait3A_40 = arith.constant 0 : i32
      %dma_wait3A_41 = tpu.memref_slice %arg5[%arg0, %mul3A_16, %dma_wait3A_40] : memref<2x256x256xf32, #tpu.memory_space<hbm>> -> memref<1x16x256xf32, #tpu.memory_space<hbm>>
      %dma_wait3A_42 = tpu.memref_squeeze %dma_wait3A_41 : memref<1x16x256xf32, #tpu.memory_space<hbm>> -> memref<16x256xf32, #tpu.memory_space<hbm>>
      tpu.wait_dma2 semaphore(%run_scoped3A_32 : memref<!tpu.dma_semaphore, #tpu.memory_space<semaphore_mem>>) src(%arg8 : memref<16x256xf32, #tpu.memory_space<vmem>>) dst(%dma_wait3A_42 : memref<16x256xf32, #tpu.memory_space<hbm>>)
      tpu.yield
    }) : () -> ()
    return
  }
}

</mosaic_0001>

<sc_bundles>
// kernel: kernel.3.cloned.1.call-start
scs
__scs_entry_jumppad:
0x0: {  	(pc) =	sbr.rel $0x88, $3  }
0x1: {  	(tag) =	ssettag $0x0;
	lr =	simm.s32 $0x1  }
0x2: {  	[smem:$0x3F9F] =	sst lr;
	_ =	strace $0xD0000000  }
0x3: {  	_ = 	snop  }
0x4: {  	_ = 	snop  }
0x5: {  	_ = 	snop  }
0x6: {  	_ = 	snop  }
0x7: {  	_ = 	snop  }
__scs_overlays_trampoline_lowered:
0x8: {  	[smem:$0x3FAE] =	sst s0  }
0x9: {  	[smem:$0x3FAF] =	sst s1  }
0xa: {  	[smem:$0x3FB0] =	sst s2  }
0xb: {  	[smem:$0x3FB1] =	sst s3  }
0xc: {  	[smem:$0x3FB2] =	sst s4  }
0xd: {  	[smem:$0x3FB3] =	sst s5  }
0xe: {  	[smem:$0x3FB4] =	sst s6  }
0xf: {  	[smem:$0x3FB5] =	sst s7  }
0x10: {  	[smem:$0x3FB6] =	sst s8  }
0x11: {  	[smem:$0x3FB7] =	sst s9;
	s0 =	simm.s32 @!p0 $0x0  }
0x12: {  	s1 =	sld [smem:$0x3F9D];
	s0 =	simm.s32 @p0 $0x1  }
0x13: {  	[smem:$0x3FB8] =	sst s0;
	s0 =	simm.s32 @!p1 $0x0  }
0x14: {  	s2 =	sld [smem:$0x3F9C];
	s0 =	simm.s32 @p1 $0x1  }
0x15: {  	[smem:$0x3FB9] =	sst s0;
	s0 =	simm.s32 @!p2 $0x0  }
0x16: {  	s3 =	sld [smem:$0x3FDB];
	s0 =	simm.s32 @p2 $0x1  }
0x17: {  	s4 =	simm.s32 $0x1BF5;
	[smem:$0x3FBB] =	sst s0  }
0x18: {  	s0 =	sld [smem:$0x3F9E];
	_ =	swait.ge [sflag:s4], $0x0  }
0x19: {  	s7 =	sld [smem:$0x3F9F]  }
0x1a: {  	s8 =	sadd.s32 $0xFFFFE003, lr  }
0x1b: {  	s9 =	sadd.s32 $0xFFFFFEF7, lr;
	s5 =	simm.s32 $0xFFFFFFFF;
	p2 =	slt.u32 s8, $0xFFFFF086  }
0x1c: {  	p1 =	slt.u32 s9, $0xF7A;
	s5 =	simm.s32 @!p2 $0x0  }
0x1d: {  	s5 =	simm.s32 @p1 $0x1;
	p0 =	seq.s32 s7, s2  }
0x1e: {  	s7 =	smul.u32 @!p0 $0xF7A, s2;
	p2 =	seq.s32 @!p0 s5, $0x0  }
0x1f: {  	s9 =	smul.u32 $0xF7A, s1;
	s8 =	simm.s32 @!p0 $0x1BF5;
	p2 =	por !p2, p0  }
0x20: {  	[sflag:s8] =	ssyncset.s32 @!p0 $0xFFFFF086;
	s6 =	sadd.s32 @!p0 s3, s7;
	s7 =	simm.s32 @!p0 $0x108  }
0x21: {  	s3 =	sadd.s32 s3, s9;
	s6 =	sadd.s32 @!p0 $0x88, s6;
	s7 =	simm.s32 @p2 $0x1082  }
0x22: {  	[simem:s7], [sflag:s8] =	dma.local @!p0 [hbm:s6], $0xF7A  }
0x23: {  	s9 =	sor.u32 $0xD0000000, s2;
	s6 =	simm.s32 $0x108;
	_ =	swait.ge @!p0 [sflag:s8], $0x0  }
0x24: {  	s3 =	sadd.s32 $0x88, s3;
	s6 =	simm.s32 @!p1 $0x1082;
	[sflag:s4] =	ssyncset.s32 $0xFFFFF086  }
0x25: {  	[simem:s6], [sflag:s4] =	dma.local [hbm:s3], $0xF7A  }
0x26: {  	[smem:$0x3F9F] =	sst s1;
	(tag) =	ssettag s2;
	_ =	strace s9  }
0x27: {  	s1 =	sld [smem:$0x3FAF]  }
0x28: {  	s2 =	sld [smem:$0x3FB0]  }
0x29: {  	s4 =	sld [smem:$0x3FB2]  }
0x2a: {  	p0 =	seq.s32 s5, $0x0;
	s5 =	sld [smem:$0x3FB3]  }
0x2b: {  	s6 =	sld [smem:$0x3FB4]  }
0x2c: {  	s7 =	sld [smem:$0x3FB5]  }
0x2d: {  	s3 =	simm.s32 $0x108;
	s8 =	sld [smem:$0x3FB6]  }
0x2e: {  	s3 =	simm.s32 @!p0 $0x1082;
	s9 =	sld [smem:$0x3FB7]  }
0x2f: {  	lr =	sadd.s32 s0, s3;
	s0 =	sld [smem:$0x3FAE]  }
0x30: {  	s3 =	sld [smem:$0x3FB1]  }
0x31: {  	[smem:$0x3FBA] =	sst s10  }
0x32: {  	s10 =	sld [smem:$0x3FB8];
	_ =	sdelay $0x3  }
0x33: {  	p0 =	seq.s32 s10, $0x1;
	s10 =	sld [smem:$0x3FBA];
	_ =	sdelay $0x3  }
0x34: {  	[smem:$0x3FBA] =	sst s10  }
0x35: {  	s10 =	sld [smem:$0x3FB9];
	_ =	sdelay $0x3  }
0x36: {  	p1 =	seq.s32 s10, $0x1;
	s10 =	sld [smem:$0x3FBA];
	_ =	sdelay $0x3  }
0x37: {  	[smem:$0x3FBA] =	sst s10  }
0x38: {  	s10 =	sld [smem:$0x3FBB]  }
0x39: {  	_ = 	snop;
	(pc) =	sbr.ind lr, $3  }
0x3a: {  	_ = 	snop  }
0x3b: {  	_ = 	snop  }
0x3c: {  	p2 =	seq.s32 s10, $0x1;
	s10 =	sld [smem:$0x3FBA]  }
0x3d: {  	_ =	shalt  }
0x3e: {  	_ =	shalt  }
0x3f: {  	_ =	shalt  }
0x40: {  	_ =	shalt  }
0x41: {  	_ =	shalt  }
0x42: {  	_ =	shalt  }
0x43: {  	_ =	shalt  }
0x44: {  	_ =	shalt  }
0x45: {  	_ =	shalt  }
0x46: {  	_ =	shalt  }
0x47: {  	_ =	shalt  }
0x48: {  	_ =	shalt  }
0x49: {  	_ =	shalt  }
0x4a: {  	_ =	shalt  }
0x4b: {  	_ =	shalt  }
0x4c: {  	_ =	shalt  }
0x4d: {  	_ =	shalt  }
0x4e: {  	_ =	shalt  }
0x4f: {  	_ =	shalt  }
0x50: {  	_ =	shalt  }
0x51: {  	_ =	shalt  }
0x52: {  	_ =	shalt  }
0x53: {  	_ =	shalt  }
0x54: {  	_ =	shalt  }
0x55: {  	_ =	shalt  }
0x56: {  	_ =	shalt  }
0x57: {  	_ =	shalt  }
0x58: {  	_ =	shalt  }
0x59: {  	_ =	shalt  }
0x5a: {  	_ =	shalt  }
0x5b: {  	_ =	shalt  }
0x5c: {  	_ =	shalt  }
0x5d: {  	_ =	shalt  }
0x5e: {  	_ =	shalt  }
0x5f: {  	_ =	shalt  }
0x60: {  	_ =	shalt  }
0x61: {  	_ =	shalt  }
0x62: {  	_ =	shalt  }
0x63: {  	_ =	shalt  }
0x64: {  	_ =	shalt  }
0x65: {  	_ =	shalt  }
0x66: {  	_ =	shalt  }
0x67: {  	_ =	shalt  }
0x68: {  	_ =	shalt  }
0x69: {  	_ =	shalt  }
0x6a: {  	_ =	shalt  }
0x6b: {  	_ =	shalt  }
0x6c: {  	_ =	shalt  }
0x6d: {  	_ =	shalt  }
0x6e: {  	_ =	shalt  }
0x6f: {  	_ =	shalt  }
0x70: {  	_ =	shalt  }
0x71: {  	_ =	shalt  }
0x72: {  	_ =	shalt  }
0x73: {  	_ =	shalt  }
0x74: {  	_ =	shalt  }
0x75: {  	_ =	shalt  }
0x76: {  	_ =	shalt  }
0x77: {  	_ =	shalt  }
0x78: {  	_ =	shalt  }
0x79: {  	_ =	shalt  }
0x7a: {  	_ =	shalt  }
0x7b: {  	_ =	shalt  }
0x7c: {  	_ =	shalt  }
0x7d: {  	_ =	shalt  }
0x7e: {  	_ =	shalt  }
0x7f: {  	_ =	shalt  }
0x80: {  	_ =	shalt  }
0x81: {  	_ =	shalt  }
0x82: {  	_ =	shalt  }
0x83: {  	_ =	shalt  }
0x84: {  	_ =	shalt  }
0x85: {  	_ =	shalt  }
0x86: {  	_ =	shalt  }
0x87: {  	_ =	shalt  }
.Lfunc_end0:
.L_simem_size_0:
called_computation_lowered:
.L_overlay_start_0:
0x88: {  	s2 =	sld [smem:$0x3FD9]  }
0x89: {  	s3 =	sld [smem:$0x3FFE];
	_ =	sdelay $0x1  }
0x8a: {  	s1 =	srdreg.scid  }
0x8b: {  	s0 =	sand.u32 $0x1, s1  }
0x8c: {  	s14 =	sshll.u32 s0, $0xA;
	s2 =	sadd.s32 s3, s2  }
0x8d: {  	s2 =	sadd.s32 s2, s14  }
0x8e: {  	[smem:$0x3FC6] =	sst s2  }
0x8f: {  	_ = 	snop  }
0x90: {  	s2 =	sld [smem:$0x3FD0];
	_ =	sdelay $0x2  }
0x91: {  	s15 =	simm.s32 $0xA;
	s4 =	simm.s32 $0x10  }
0x92: {  	[smem:s4], [sflag:s15] =	dma.local [hbm:s2], $0x1  }
0x93: {  	_ =	swait.eq [sflag:s15], $0x1  }
0x94: {  	s16 =	sld [smem:$0x10];
	[sflag:s15] =	ssyncset.done $0x0  }
0x95: {  	s17 =	sld [smem:$0x11];
	[sflag:s15] =	ssyncadd.s32 $0xFFFFFFFF  }
0x96: {  	s18 =	sld [smem:$0x12];
	(tm) =	ssettm $0x1  }
0x97: {  	s5 =	sld [smem:$0x3FFB];
	_ =	sdelay $0x3  }
0x98: {  	_ =	strace s5  }
0x99: {  	s5 =	sld [smem:$0x3FFC];
	_ =	sdelay $0x3  }
0x9a: {  	_ =	strace s5  }
0x9b: {  	s5 =	sld [smem:$0x3FFD];
	_ =	sdelay $0x3  }
0x9c: {  	_ =	strace s5  }
0x9d: {  	_ =	strace $0x8FFFFFFF  }
0x9e: {  	s19 =	sld [smem:$0x3FDB];
	_ =	sdelay $0x1  }
0x9f: {  	s6 =	simm.s32 $_scs_section_size  }
0xa0: {  	s7 =	simm.s32 $_size__tile_overlayer_lowered;
	s8 =	simm.s32 $_tile_overlayer_lowered  }
0xa1: {  	s22 =	simm.s32 $0x1BFF;
	s21 =	sshll.u32 s8, $0x1;
	s5 =	sadd.s32 s6, s19  }
0xa2: {  	s9 =	simm.s32 $0x0;
	s20 =	sshll.u32 s7, $0x1;
	s7 =	sadd.s32 s21, s5  }
0xa3: {  	[timem:s9], [sflag:s22] =	dma.local [hbm:s7], s20  }
0xa4: {  	_ =	swait.ge [sflag:s22], s20  }
0xa5: {  	s6 =	ssub.s32 $0x0, s20;
	[sflag:s22] =	ssyncset.done $0x0  }
0xa6: {  	[sflag:s22] =	ssyncadd.s32 s6;
	_ =	sdelay $0x1  }
0xa7: {  	s23 =	simm.s32 $0x1B8B  }
0xa8: {  	_ =	swait.ge [sflag:s23], $0x1  }
0xa9: {  	[sflag:s23] =	ssyncset.done $0x0  }
0xaa: {  	s25 =	simm.s32 $0x1B8E;
	s24 =	sld [smem:$0x3FFE];
	[sflag:s23] =	ssyncadd.s32 $0xFFFFFFFF  }
0xab: {  	s26 =	simm.s32 $execute0_lowered;
	[smem:$0x3FD2] =	sst s25  }
0xac: {  	s7 =	sshll.u32 s26, $0x1;
	_ =	strace $0x80000046;
	[dreg:$0x1] =	wrdreg $0xFFFFFFFF  }
0xad: {  	s28 =	simm.s32 $_size_execute0_lowered;
	s5 =	sadd.s32 s5, s7;
	[dreg:$0x0] =	wrdreg $0x0  }
0xae: {  	s7 =	sshll.u32 s28, $0x1;
	[dreg:$0x2] =	wrdreg s5  }
0xaf: {  	[dreg:$0x3] =	wrdreg s7  }
0xb0: {  	[dreg:$0x4] =	wrdreg $0xC0  }
0xb1: {  	_ =	task [dreg:s9], $0x5FFFF  }
0xb2: {  	[dreg:$0x1] =	wrdreg $0xFFFFFFFF  }
0xb3: {  	[dreg:$0x0] =	wrdreg $0x60  }
0xb4: {  	[dreg:$0x2] =	wrdreg s24  }
0xb5: {  	[dreg:$0x3] =	wrdreg s16  }
0xb6: {  	[dreg:$0x4] =	wrdreg s17  }
0xb7: {  	[dreg:$0x5] =	wrdreg s18  }
0xb8: {  	[dreg:$0x6] =	wrdreg $0x9  }
0xb9: {  	_ =	task.clear_ibuf [dreg:s9], $0x7FFFF;
	_ =	strace $0x90000046  }
0xba: {  	s29 =	simm.s32 $0x9;
	_ =	strace $0x80000048  }
0xbb: {  	_ =	swait.ge [sflag:s29], $0x1  }
0xbc: {  	[sflag:s29] =	ssyncadd.s32 $0xFFFFFFFF  }
0xbd: {  	_ =	strace $0x90000048  }
0xbe: {  	_ =	sfence  }
0xbf: {  	s30 =	sld [smem:$0x0];
	_ =	sdelay $0x2  }
0xc0: {  	s31 =	sshll.u32 s1, $0xD;
	s1 =	sshrl.u32 s1, $0x2  }
0xc1: {  	s3 =	sand.u32 $0x4000, s31;
	s1 =	sadd.s32 s1, s30  }
0xc2: {  	s0 =	sor.u32 s3, s0;
	s1 =	sshll.u32 s1, $0x11  }
0xc3: {  	s0 =	sor.u32 s1, s0  }
0xc4: {  	s0 =	sadd.s32 $0x8F2B, s0  }
0xc5: {  	[sflag:s0] =	ssyncadd.remote.s32 $0x1  }
0xc6: {  	_ =	sfence.sel $0xFFFF  }
0xc7: {  	[dreg:$0x0] =	wrdreg $0xFFFFFFFF;
	(pc) =	sbr.abs _section_cstart, $3  }
0xc8: {  	[dreg:$0x1] =	wrdreg $0xFFFFFFFF  }
0xc9: {  	_ =	task.clear_ibuf [dreg:s9], $0x2FFFF;
	_ =	strace $0x9FFFFFFF  }
0xca: {  	(tm) =	ssettm $0x7FFFFFFF  }
0xcb: {  	_ =	shalt  }
tec
execute0_lowered:
.L_overlay_start_1:
0x0: {  	(tag) =	ssettag $0x1  }
0x1: {  	s0 =	rddreg [dreg:$0x0]  }
0x2: {  	s2 =	rddreg [dreg:$0x1]  }
0x3: {  	s3 =	rddreg [dreg:$0x2]  }
0x4: {  	s7 =	rddreg [dreg:$0x3]  }
0x5: {  	s1 =	simm.s32 $0x0;
	s4 =	srdreg.scid;
	s10 =	stileid.u32  }
0x6: {  	s16 =	simm.s32 $0x1;
	[smem:$0x7FF] =	sst s1;
	s6 =	sand.u32 $0x1, s4  }
0x7: {  	s9 =	sshll.u32 s10, $0xC;
	s30 =	sshll.u32 s10, $0xB;
	s4 =	smul.u32 $0x1F80, s6  }
0x8: {  	_ =	strace $0x80000047;
	s5 =	ssub.s32 $0x2, s6;
	s8 =	sshll.u32 s6, $0x12  }
0x9: {  	s25 =	sshll.u32 s6, $0x10;
	s8 =	sor.u32 s9, s8;
	s0 =	sadd.s32 s4, s0  }
0xa: {  	s23 =	sshrl.u32 s5, $0x1;
	s24 =	sshrl.u32 s8, $0x3;
	s0 =	sadd.s32 $0x1200, s0  }
0xb: {  	s12 =	ssub.s32 s5, s23;
	s2 =	sadd.s32 s2, s24;
	[dreg:$0x5] =	wrdreg s0  }
0xc: {  	s13 =	ssub.s32 $0x0, s30;
	s31 =	smax.u32 s12, $0x1;
	[dreg:$0x6] =	wrdreg s2  }
0xd: {  	s14 =	ssub.s32 $0x0, s9;
	s26 =	sadd.s32 $0x2000, s2;
	[dreg:$0xc] =	wrdreg s31  }
0xe: {  	s0 =	sor.u32 s9, s25;
	s28 =	sadd.s32 $0x4000, s2;
	[dreg:$0x7] =	wrdreg s26  }
0xf: {  	s2 =	sadd.s32 $0x6000, s2;
	[dreg:$0x8] =	wrdreg s28;
	s0 =	sshrl.u32 s0, $0x3  }
0x10: {  	s4 =	sshll.u32 s10, $0x4;
	[dreg:$0x9] =	wrdreg s2;
	s29 =	sadd.s32 s3, s0  }
0x11: {  	v0 =	vimm.f32 $1.000000000e+02;
	s23 =	simm.s32 $0x0;
	s0 =	sadd.s32 s7, s0;
	[dreg:$0xa] =	wrdreg s29  }
0x12: {  	v1 =	vimm.s32 $0xFFFFFFFF;
	v2 =	vimm.f32 $0.0e+00;
	v3 =	vlaneseq.u32;
	s6 =	sadd.s32 $0x10, s4;
	s15 =	ssub.s32 $0x0, s4;
	[dreg:$0xb] =	wrdreg s0  }
.LBB2_1:
0x13: {  	s0 =	rddreg [dreg:$0x5];
	s30 =	sand.u32 $0x70, s1  }
0x14: {  	s2 =	simm.s32 $0x0;
	s3 =	sand.u32 $0x400, s1;
	s7 =	simm.s32 $0x0  }
0x15: {  	[tilespmem:s1], [sflag:$0x1] =	stream.linear.gather [hbm4b:s0+s1], $0xFA00, $0x38;
	[tilespmem:$0x15D00] =	vst v63  }
0x16: {  	s2 =	sand.u32 $0x800, s2;
	s0 =	sor.u32 s3, s30;
	_ =	swait.ge [sflag:s16], $0xFA00  }
0x17: {  	s31 =	sand.u32 $0x380, s7;
	s0 =	sor.u32 s2, s0;
	[sflag:s16] =	ssyncset.done $0x0  }
0x18: {  	s0 =	sor.u32 s31, s0;
	[sflag:s16] =	ssyncadd.s32 $0xFFFF0600  }
0x19: {  	s3 =	simm.s32 $0x10;
	s7 =	simm.s32 $0x0;
	s2 =	simm.s32 $0x1;
	[tilespmem:s0+$0x13D00] =	vst v2  }
.LBB2_2:
0x1a: {  	s8 =	sand.u32 $0x70, s3;
	s9 =	sshll.u32 s2, $0x4  }
0x1b: {  	[tilespmem:s0+$0xFD00] =	vst v0;
	s7 =	sadd.s32 $0x80, s7;
	s17 =	smov.u32 s2;
	p0 =	sne.s32 s2, $0xFF  }
.Ltmp0:
0x1c: {  	s2 =	sadd.s32 $0x1, s2;
	s18 =	sand.u32 $0x400, s7;
	[tilespmem:s0+$0x10D00] =	vst v1;
	(pc) =	sbr.rel @p0 .LBB2_2-.Ltmp0, $4  }
0x1d: {  	s9 =	sand.u32 $0x800, s9;
	s17 =	sshll.u32 s17, $0x3;
	s8 =	sor.u32 s18, s8;
	[tilespmem:s0+$0x11D00] =	vst v2  }
0x1e: {  	s17 =	sand.u32 $0x380, s17;
	s8 =	sor.u32 s9, s8;
	[tilespmem:s0+$0x12D00] =	vst v2  }
0x1f: {  	s0 =	sor.u32 s17, s8  }
0x20: {  	s3 =	sadd.s32 $0x10, s3;
	[tilespmem:s0+$0x13D00] =	vst v2  }
0x21: {  	s24 =	simm.s32 $0x0  }
0x22: {  	v4 =	vor.u32 s24, v3  }
0x23: {  	v4 =	vcvt.s32.f32 v4;
	_ =	sdelay $0x1  }
0x24: {  	s2 =	simm.s32 $0x10;
	v4 =	vadd.f32 v4, v4  }
0x25: {  	v5 =	vor.u32 s2, v3  }
0x26: {  	[tilespmem:s0+$0xFD00] =	vst v0;
	v5 =	vcvt.s32.f32 v5;
	v4 =	vadd.f32 $-2.550000000e+02, v4  }
0x27: {  	[tilespmem:s0+$0x10D00] =	vst v1  }
0x28: {  	[tilespmem:s0+$0x11D00] =	vst v2;
	v5 =	vadd.f32 v5, v5;
	v4 =	vmul.f32 $3.906250000e-03, v4  }
0x29: {  	[tilespmem:s0+$0x12D00] =	vst v2;
	s0 =	simm.s32 $0xFC00  }
0x2a: {  	s2 =	simm.s32 $0x20;
	[tilespmem:s0+$0x0] =	vst v4;
	v4 =	vadd.f32 $-2.550000000e+02, v5  }
.LBB2_4:
0x2b: {  	v5 =	vor.u32 s2, v3;
	p0 =	sne.s32 s2, $0xF0;
	s2 =	sadd.s32 $0x10, s2  }
.Ltmp1:
0x2c: {  	v5 =	vcvt.s32.f32 v5;
	v4 =	vmul.f32 $3.906250000e-03, v4;
	(pc) =	sbr.rel @p0 .LBB2_4-.Ltmp1, $3  }
0x2d: {  	s0 =	sadd.s32 $0x10, s0  }
0x2e: {  	v5 =	vadd.f32 v5, v5;
	[tilespmem:s0+$0x0] =	vst v4;
	_ =	sdelay $0x1  }
0x2f: {  	v4 =	vadd.f32 $-2.550000000e+02, v5  }
.Ltmp2:
0x30: {  	(pc) =	sbr.rel .LBB2_6-.Ltmp2, $4  }
0x31: {  	_ = 	snop  }
0x32: {  	v4 =	vmul.f32 $3.906250000e-03, v4  }
0x33: {  	s0 =	sadd.s32 $0x10, s0  }
0x34: {  	[tilespmem:s0+$0x0] =	vst v4  }
.LBB2_15:
0x35: {  	s24 =	sadd.s32 $0x1, s24  }
0x36: {  	p0 =	sne.s32 s24, $0x1F4  }
.Ltmp3:
0x37: {  	_ = 	snop;
	(pc) =	sbr.rel @!p0 .LBB2_16-.Ltmp3, $1  }
0x38: {  	_ =	sdelay $0x3  }
.LBB2_6:
0x39: {  	s0 =	sshll.u32 s24, $0x7  }
0x3a: {  	s0 =	sand.u32 $0x3FFFFF80, s0  }
0x3b: {  	v14 =	vld [tilespmem:s0+$0x0];
	_ =	sdelay $0x4  }
0x3c: {  	(v2sf) =	vpush v14, $0xB  }
0x3d: {  	(v2sf) =	vpush v14, $0xC;
	_ =	sdelay $0x1  }
0x3e: {  	(v2sf) =	vpush v14, $0xD;
	_ =	sdelay $0x1  }
0x3f: {  	(v2sf) =	vpush v14, $0xE;
	_ =	sdelay $0x9  }
0x40: {  	s2 =	spop (v2sf)  }
0x41: {  	s3 =	spop (v2sf);
	s7 =	scvt.f32.s32 s2  }
0x42: {  	s3 =	scvt.f32.s32 s3  }
0x43: {  	s25 =	smov.u32 s4;
	s2 =	spop (v2sf);
	p0 =	sgt.s32 s7, s4  }
0x44: {  	s25 =	smov.u32 @p0 s7;
	p0 =	slt.s32 s3, s6;
	s7 =	smov.u32 s6  }
0x45: {  	s8 =	spop (v2sf);
	s7 =	smov.u32 @p0 s3  }
0x46: {  	s26 =	scvt.f32.s32 s8;
	s28 =	ssub.s32 s7, s25  }
0x47: {  	p0 =	slt.s32 s28, $0x1  }
0x48: {  	p1 =	slt.s32 @!p0 s26, $0x1  }
0x49: {  	p1 =	por p0, p1  }
.Ltmp4:
0x4a: {  	_ = 	snop;
	(pc) =	sbr.rel @p1 .LBB2_15-.Ltmp4, $1  }
0x4b: {  	_ =	sdelay $0x3  }
0x4c: {  	v4 =	vbroadcast @!p0 v14, $0x5;
	v24 =	vld [tilespmem:s0+$0x10];
	v5 =	vbroadcast v14, $0x4  }
0x4d: {  	v6 =	vbroadcast v14, $0x0;
	v7 =	vbroadcast v14, $0x2  }
0x4e: {  	v8 =	vbroadcast v14, $0x1;
	v9 =	vbroadcast v14, $0x3  }
0x4f: {  	v10 =	vbroadcast v14, $0x7;
	v11 =	vbroadcast v14, $0x6  }
0x50: {  	v12 =	vbroadcast v14, $0x8;
	v13 =	vbroadcast v14, $0x9  }
.Ltmp5:
0x51: {  	s29 =	scvt.f32.s32 s2;
	v14 =	vbroadcast v14, $0xA;
	v15 =	vbroadcast v24, $0x0;
	(pc) =	sbr.rel .LBB2_8-.Ltmp5, $4  }
0x52: {  	s30 =	sand.u32 $0x7FFFFFFE, s28;
	s21 =	sshll.u32 s25, $0x7;
	s22 =	sadd.s32 s25, s15;
	v16 =	vbroadcast v24, $0x3;
	v17 =	vbroadcast v24, $0x6  }
0x53: {  	s31 =	sshll.u32 s25, $0x8;
	s18 =	simm.s32 $0x0;
	s7 =	sadd.s32 s21, s13;
	v18 =	vbroadcast v24, $0x1;
	v19 =	vbroadcast v24, $0x4  }
0x54: {  	v20 =	vmov @!p0 s24;
	s3 =	sadd.s32 s30, s22;
	s8 =	sadd.s32 s31, s14;
	p0 =	seq.s32 s30, $0x0;
	v21 =	vbroadcast v24, $0x7;
	v22 =	vbroadcast v24, $0x2  }
0x55: {  	p1 =	seq.s32 s30, s28;
	s2 =	sshll.u32 s3, $0x7;
	s17 =	sshll.u32 s3, $0x8;
	v25 =	vmov s29;
	v23 =	vbroadcast v24, $0x5;
	v24 =	vbroadcast v24, $0x8  }
.LBB2_14:
0x56: {  	s18 =	sadd.s32 $0x1, s18  }
0x57: {  	p2 =	sne.s32 s18, s26  }
.Ltmp6:
0x58: {  	_ = 	snop;
	(pc) =	sbr.rel @!p2 .LBB2_15-.Ltmp6, $1  }
0x59: {  	_ =	sdelay $0x3  }
.LBB2_8:
0x5a: {  	_ =	sdelay $0x2  }
0x5b: {  	s0 =	sshll.u32 s18, $0x4  }
0x5c: {  	v26 =	vld.idx.msk [tilespmem:v25+s0+$0xFC00 ss:$0x1], $0xffff;
	_ =	sdelay $0x2  }
.Ltmp7:
0x5d: {  	_ = 	snop;
	(pc) =	sbr.rel @p0 .LBB2_11-.Ltmp7, $4  }
0x5e: {  	_ = 	snop  }
0x5f: {  	v27 =	vsub.f32 v26, v5  }
0x60: {  	s0 =	sadd.s32 s29, s0  }
0x61: {  	s20 =	sshrl.u32 s0, $0x7;
	s19 =	sand.u32 $0x70, s0;
	v26 =	vmul.f32 v27, v6;
	v27 =	vmul.f32 v27, v7  }
0x62: {  	s0 =	sadd.s32 $0x0, s25  }
0x63: {  	s3 =	sadd.s32 $0x1, s0  }
0x64: {  	s3 =	scvt.s32.f32 s3  }
0x65: {  	s0 =	scvt.s32.f32 s0  }
0x66: {  	s3 =	sadd.f32 s3, s3  }
0x67: {  	s0 =	sadd.f32 s0, s0  }
0x68: {  	s3 =	sadd.f32 $-2.550000000e+02, s3  }
0x69: {  	s0 =	sadd.f32 $-2.550000000e+02, s0  }
0x6a: {  	s3 =	smul.f32 $3.906250000e-03, s3  }
0x6b: {  	s0 =	smul.f32 $3.906250000e-03, s0  }
0x6c: {  	v28 =	vsub.f32 s3, v4  }
0x6d: {  	v29 =	vsub.f32 s0, v4  }
0x6e: {  	v30 =	vmul.f32 v28, v8  }
0x6f: {  	v31 =	vmul.f32 v29, v8  }
0x70: {  	v28 =	vmul.f32 v28, v9;
	v33 =	vadd.f32 v30, v26  }
0x71: {  	v29 =	vmul.f32 v29, v9;
	v31 =	vadd.f32 v31, v26  }
0x72: {  	v35 =	vadd.f32 v28, v27;
	v28 =	vmul.f32 v33, v10  }
0x73: {  	v29 =	vadd.f32 v29, v27;
	v30 =	vmul.f32 v31, v10  }
0x74: {  	v32 =	vmul.f32 v35, v10;
	v28 =	vsub.f32 $1.000000000e+00, v28  }
0x75: {  	v36 =	vmul.f32 v29, v10;
	v39 =	vsub.f32 $1.000000000e+00, v30  }
0x76: {  	v37 =	vmul.f32 v33, v12;
	v38 =	vmul.f32 v35, v13;
	v30 =	vsub.f32 v28, v32  }
0x77: {  	v34 =	vmul.f32 v31, v12;
	v32 =	vmul.f32 v29, v13;
	v28 =	vsub.f32 v39, v36  }
0x78: {  	p3 =	sgt.u32 s30, $0x2;
	v31 =	vmul.f32 v31, v11;
	v63 =	vadd.f32 v38, v37;
	v36 =	vmul.f32 v30, v14  }
.Ltmp8:
0x79: {  	v29 =	vmul.f32 v29, v11;
	v40 =	vadd.f32 v32, v34;
	v41 =	vmul.f32 v28, v14;
	(pc) =	sbr.rel @!p3 .LBB2_10-.Ltmp8, $4  }
0x7a: {  	v39 =	vadd.f32 v36, v63  }
0x7b: {  	vm0 =	vge.f32 v31, $0.0e+00;
	vm1 =	vge.f32 v29, $0.0e+00;
	v29 =	vadd.f32 v41, v40  }
0x7c: {  	vm2 =	vge.f32 v28, $0.0e+00;
	vm0 =	vmand vm0, vm1;
	(erf) = vrcp.f32 v39  }
0x7d: {  	s21 =	sshll.u32 s20, $0xA;
	p2 =	por $0x0, $0x0;
	vm1 =	vmand vm0, vm2;
	(erf) = vrcp.f32 v29  }
0x7e: {  	_ =	sdelay $0x1  }
0x7f: {  	s3 =	sadd.s32 $0x2, s25  }
0x80: {  	s0 =	sadd.s32 $0x100, s8;
	s22 =	sadd.s32 $0x1, s3;
	s3 =	scvt.s32.f32 s3  }
0x81: {  	s9 =	sadd.s32 $0x80, s7;
	v31 =	vmul.f32 v33, v11;
	v51 =	vmul.f32 v35, v11;
	s0 =	sand.u32 $0xFFFFF800, s0  }
0x82: {  	s9 =	sand.u32 $0x380, s9;
	s0 =	sadd.s32 s21, s0;
	s3 =	sadd.f32 s3, s3  }
0x83: {  	vm2 =	vmmov vm1;
	s31 =	scvt.s32.f32 s22;
	vm0 =	vge.f32 v31, $0.0e+00;
	vm1 =	vge.f32 v51, $0.0e+00;
	s0 =	sor.u32 s9, s0  }
0x84: {  	vm0 =	vmand vm0, vm1;
	s22 =	sor.u32 s19, s0;
	s3 =	sadd.f32 $-2.550000000e+02, s3;
	v28 =	vpop (erf)  }
0x85: {  	vm1 =	vge.f32 v30, $0.0e+00;
	s10 =	sadd.f32 s31, s31;
	v31 =	vld [tilespmem:s22+$0xFD00];
	v52 =	vmul.f32 v28, v37;
	v53 =	vmul.f32 v28, v38;
	v29 =	vpop (erf)  }
0x86: {  	vm0 =	vmand vm0, vm1;
	s3 =	smul.f32 $3.906250000e-03, s3;
	v43 =	vmul.f32 v28, v36;
	v39 =	vmul.f32 v29, v34  }
0x87: {  	s0 =	sadd.f32 $-2.550000000e+02, s10;
	vm1 =	vgt.f32 v28, $1.000000010e-01;
	v54 =	vmul.f32 v52, v22;
	v55 =	vmul.f32 v53, v23  }
0x88: {  	v57 =	vld [tilespmem:s22+$0x13D00];
	v40 =	vmul.f32 v29, v32;
	vm0 =	vmand vm0, vm1;
	v62 =	vsub.f32 s3, v4  }
0x89: {  	s0 =	smul.f32 $3.906250000e-03, s0;
	v41 =	vmul.f32 v29, v41;
	v58 =	vmul.f32 v43, v24;
	v30 =	vadd.f32 v55, v54  }
0x8a: {  	v56 =	vmul.f32 v52, v15;
	v59 =	vmul.f32 v53, v16;
	vm1 =	vlt.f32 v28, v31  }
0x8b: {  	v60 =	vsub.f32 s0, v4;
	v61 =	vmul.f32 v52, v18;
	v30 =	vadd.f32 v30, v58  }
0x8c: {  	v37 =	vmul.f32 v53, v19;
	vm0 =	vmand vm0, vm1;
	v63 =	vmul.f32 v39, v15  }
0x8d: {  	v44 =	vmul.f32 v39, v18;
	v48 =	vsel vm0, v30, v57;
	v30 =	vmul.f32 v60, v8  }
0x8e: {  	v45 =	vmul.f32 v40, v19;
	v54 =	vmul.f32 v62, v8  }
0x8f: {  	v47 =	vadd.f32 v59, v56;
	v33 =	vadd.f32 v30, v26;
	v30 =	vmul.f32 v60, v9  }
0x90: {  	v55 =	vmul.f32 v62, v9;
	v51 =	vadd.f32 v37, v61;
	v32 =	vadd.f32 v54, v26  }
0x91: {  	v56 =	vmul.f32 v40, v16;
	v35 =	vadd.f32 v30, v27;
	v30 =	vmul.f32 v33, v10  }
0x92: {  	v62 =	vmul.f32 v43, v21;
	v42 =	vadd.f32 v55, v27;
	v57 =	vmul.f32 v32, v10  }
0x93: {  	v50 =	vadd.f32 v56, v63;
	v58 =	vmul.f32 v35, v10;
	v30 =	vsub.f32 $1.000000000e+00, v30  }
0x94: {  	v46 =	vmul.f32 v42, v10;
	v34 =	vmul.f32 v32, v12;
	v49 =	vsub.f32 $1.000000000e+00, v57  }
0x95: {  	v37 =	vmul.f32 v33, v12;
	v38 =	vmul.f32 v35, v13;
	v30 =	vsub.f32 v30, v58  }
0x96: {  	s11 =	sand.u32 $0xFFFFF800, s8;
	v52 =	vmul.f32 v32, v11;
	v32 =	vmul.f32 v42, v13;
	v46 =	vsub.f32 v49, v46  }
0x97: {  	s12 =	sand.u32 $0x380, s7;
	s0 =	sadd.s32 s21, s11;
	v54 =	vmul.f32 v39, v22;
	v53 =	vadd.f32 v38, v37;
	v36 =	vmul.f32 v30, v14  }
0x98: {  	s0 =	sor.u32 s12, s0;
	v55 =	vadd.f32 v45, v44;
	v44 =	vld [tilespmem:s22+$0x11D00];
	v59 =	vadd.f32 v32, v34;
	v39 =	vmul.f32 v46, v14  }
0x99: {  	s3 =	sor.u32 s19, s0;
	v56 =	vmul.f32 v43, v17;
	v45 =	vld [tilespmem:s22+$0x12D00];
	v42 =	vmul.f32 v42, v11;
	v53 =	vadd.f32 v36, v53  }
0x9a: {  	v63 =	vmul.f32 v41, v17;
	v51 =	vadd.f32 v51, v62;
	[tilespmem:s22+$0x13D00] =	vst v48;
	v48 =	vld [tilespmem:s3+$0x13D00];
	v49 =	vadd.f32 v39, v59  }
0x9b: {  	p3 =	sgt.u32 s30, $0x4;
	vm1 =	vge.f32 v52, $0.0e+00;
	vm3 =	vge.f32 v42, $0.0e+00;
	v42 =	vld [tilespmem:s3+$0xFD00];
	(erf) = vrcp.f32 v53  }
.Ltmp9:
0x9c: {  	v60 =	vmul.f32 v40, v23;
	vm4 =	vge.f32 v46, $0.0e+00;
	v46 =	vld [tilespmem:s3+$0x11D00];
	(erf) = vrcp.f32 v49;
	(pc) =	sbr.rel @!p3 .LBB2_21-.Ltmp9, $4  }
0x9d: {  	v57 =	vmul.f32 v41, v21;
	v41 =	vmul.f32 v41, v24;
	v49 =	vadd.f32 v47, v56;
	v47 =	vld [tilespmem:s3+$0x12D00]  }
0x9e: {  	v40 =	vld [tilespmem:s22+$0x10D00];
	vm1 =	vmand vm1, vm3;
	vm3 =	vgt.f32 v29, $1.000000010e-01;
	v61 =	vadd.f32 v60, v54  }
0x9f: {  	p2 =	por $0x1, $0x1;
	v43 =	vld [tilespmem:s3+$0x10D00];
	v50 =	vadd.f32 v50, v63;
	vm2 =	vmand vm2, vm3;
	v52 =	vadd.f32 v55, v57  }
0xa0: {  	s9 =	simm.s32 $0x4;
	s31 =	sadd.s32 $0x100, s7;
	s0 =	sadd.s32 $0x200, s8;
	vm1 =	vmand vm1, vm4;
	vm3 =	vlt.f32 v29, v42;
	v53 =	vadd.f32 v61, v41  }
.LBB2_22:
0xa1: {  	s10 =	sadd.s32 s9, s25;
	s11 =	sadd.s32 $0x100, s0;
	s12 =	sadd.s32 $0x80, s31;
	vm2 =	vmand vm2, vm3;
	v41 =	vsel vm0, v49, v44;
	v44 =	vsel vm0, v51, v45  }
0xa2: {  	s9 =	sadd.s32 $0x2, s9;
	s5 =	sadd.s32 $0x1, s10;
	s11 =	sand.u32 $0xFFFFF800, s11;
	v45 =	vsel vm2, v50, v46;
	v46 =	vsel vm2, v52, v47;
	v47 =	vsel vm2, v53, v48;
	[tilespmem:s22+$0x11D00] =	vst v41  }
0xa3: {  	p3 =	slt.u32 s9, s30;
	s12 =	sand.u32 $0x380, s12;
	v41 =	vsel vm2, v29, v42;
	v42 =	vsel vm0, v28, v31;
	v48 =	vsel vm0, v20, v40;
	s11 =	sadd.s32 s21, s11;
	[tilespmem:s22+$0x12D00] =	vst v44  }
0xa4: {  	s10 =	scvt.s32.f32 s10;
	v31 =	vmul.f32 v33, v11;
	v33 =	vmul.f32 v35, v11;
	v35 =	vsel vm2, v20, v43;
	s5 =	scvt.s32.f32 s5;
	s11 =	sor.u32 s12, s11;
	v28 =	vpop (erf);
	[tilespmem:s3+$0x11D00] =	vst v45  }
0xa5: {  	s1 =	sand.u32 $0x380, s31;
	vm2 =	vmmov vm1;
	s12 =	sand.u32 $0xFFFFF800, s0;
	s11 =	sor.u32 s19, s11;
	v37 =	vmul.f32 v28, v37;
	v38 =	vmul.f32 v28, v38;
	v29 =	vpop (erf);
	[tilespmem:s3+$0x12D00] =	vst v46  }
0xa6: {  	vm0 =	vge.f32 v31, $0.0e+00;
	s5 =	sadd.f32 s5, s5;
	s12 =	sadd.s32 s21, s12;
	v50 =	vmul.f32 v28, v36;
	v49 =	vmul.f32 v29, v34;
	v31 =	vld [tilespmem:s11+$0xFD00];
	[tilespmem:s3+$0x13D00] =	vst v47  }
0xa7: {  	s10 =	sadd.f32 s10, s10;
	vm1 =	vge.f32 v33, $0.0e+00;
	s1 =	sor.u32 s1, s12;
	v40 =	vld [tilespmem:s11+$0x10D00];
	v33 =	vmul.f32 v37, v22;
	v34 =	vmul.f32 v38, v23;
	[tilespmem:s22+$0xFD00] =	vst v42  }
0xa8: {  	vm0 =	vmand vm0, vm1;
	v51 =	vmul.f32 v29, v32;
	s5 =	sadd.f32 $-2.550000000e+02, s5;
	s1 =	sor.u32 s19, s1;
	v32 =	vmul.f32 v37, v15;
	v36 =	vld [tilespmem:s11+$0x13D00];
	[tilespmem:s22+$0x10D00] =	vst v48;
	s22 =	smov.u32 s11  }
0xa9: {  	vm1 =	vge.f32 v30, $0.0e+00;
	s10 =	sadd.f32 $-2.550000000e+02, s10;
	v42 =	vld [tilespmem:s1+$0xFD00];
	v30 =	vadd.f32 v34, v33;
	v33 =	vmul.f32 v50, v24;
	[tilespmem:s3+$0xFD00] =	vst v41  }
0xaa: {  	vm0 =	vmand vm0, vm1;
	vm1 =	vgt.f32 v28, $1.000000010e-01;
	s5 =	smul.f32 $3.906250000e-03, s5;
	v34 =	vmul.f32 v38, v16;
	v44 =	vld [tilespmem:s22+$0x11D00];
	[tilespmem:s3+$0x10D00] =	vst v35;
	s3 =	smov.u32 s1  }
0xab: {  	vm0 =	vmand vm0, vm1;
	s1 =	smul.f32 $3.906250000e-03, s10;
	vm1 =	vlt.f32 v28, v31;
	v45 =	vld [tilespmem:s22+$0x12D00];
	v30 =	vadd.f32 v30, v33  }
0xac: {  	v35 =	vsub.f32 s5, v4;
	v33 =	vmul.f32 v37, v18;
	v43 =	vld [tilespmem:s3+$0x10D00];
	vm0 =	vmand vm0, vm1  }
0xad: {  	v38 =	vmul.f32 v38, v19;
	v37 =	vsub.f32 s1, v4;
	v46 =	vld [tilespmem:s3+$0x11D00];
	v30 =	vsel vm0, v30, v36  }
0xae: {  	v41 =	vmul.f32 v49, v15;
	v52 =	vadd.f32 v34, v32;
	v36 =	vmul.f32 v35, v8;
	v47 =	vld [tilespmem:s3+$0x12D00];
	[tilespmem:s22+$0x13D00] =	vst v30  }
0xaf: {  	v53 =	vadd.f32 v38, v33;
	v30 =	vmul.f32 v37, v8;
	v32 =	vmul.f32 v37, v9;
	v48 =	vld [tilespmem:s3+$0x13D00]  }
0xb0: {  	v34 =	vmul.f32 v35, v9;
	v33 =	vadd.f32 v36, v26;
	v36 =	vmul.f32 v51, v16  }
0xb1: {  	v55 =	vmul.f32 v49, v18;
	v30 =	vadd.f32 v30, v26;
	v54 =	vadd.f32 v32, v27  }
0xb2: {  	v56 =	vmul.f32 v51, v19;
	v35 =	vadd.f32 v34, v27;
	v32 =	vmul.f32 v33, v10  }
0xb3: {  	v41 =	vadd.f32 v36, v41;
	v37 =	vmul.f32 v30, v10;
	v57 =	vmul.f32 v54, v10  }
0xb4: {  	v36 =	vmul.f32 v35, v10;
	v34 =	vmul.f32 v30, v12;
	v38 =	vsub.f32 $1.000000000e+00, v32  }
0xb5: {  	v59 =	vmul.f32 v30, v11;
	v32 =	vmul.f32 v54, v13;
	v58 =	vsub.f32 $1.000000000e+00, v37  }
0xb6: {  	v37 =	vmul.f32 v33, v12;
	v30 =	vsub.f32 v38, v36;
	v38 =	vmul.f32 v35, v13  }
0xb7: {  	v54 =	vmul.f32 v54, v11;
	v57 =	vsub.f32 v58, v57;
	v58 =	vadd.f32 v32, v34  }
0xb8: {  	v49 =	vmul.f32 v49, v22;
	v36 =	vmul.f32 v30, v14;
	v60 =	vadd.f32 v38, v37  }
0xb9: {  	v51 =	vmul.f32 v51, v23;
	vm1 =	vge.f32 v59, $0.0e+00;
	v59 =	vmul.f32 v57, v14  }
0xba: {  	vm3 =	vge.f32 v54, $0.0e+00;
	v54 =	vadd.f32 v36, v60;
	v60 =	vmul.f32 v29, v39  }
0xbb: {  	v55 =	vadd.f32 v56, v55;
	v56 =	vmul.f32 v50, v17;
	v58 =	vadd.f32 v59, v58;
	v39 =	vmovc v59  }
0xbc: {  	(erf) = vrcp.f32 v54;
	v54 =	vadd.f32 v51, v49;
	v51 =	vmul.f32 v50, v21  }
.Ltmp10:
0xbd: {  	vm4 =	vge.f32 v57, $0.0e+00;
	v50 =	vmul.f32 v60, v17;
	(erf) = vrcp.f32 v58;
	(pc) =	sbr.rel @p3 .LBB2_22-.Ltmp10, $4  }
0xbe: {  	vm1 =	vmand vm1, vm3;
	v57 =	vmul.f32 v60, v21;
	v58 =	vmul.f32 v60, v24  }
0xbf: {  	vm3 =	vgt.f32 v29, $1.000000010e-01;
	vm1 =	vmand vm1, vm4;
	v49 =	vadd.f32 v52, v56  }
0xc0: {  	vm2 =	vmand vm2, vm3;
	v50 =	vadd.f32 v41, v50;
	v51 =	vadd.f32 v53, v51  }
0xc1: {  	s31 =	sadd.s32 $0x100, s31;
	s0 =	sadd.s32 $0x200, s0;
	vm3 =	vlt.f32 v29, v42;
	v52 =	vadd.f32 v55, v57;
	v53 =	vadd.f32 v54, v58  }
0xc2: {  	v41 =	vmov v39  }
.LBB2_24:
0xc3: {  	vm2 =	vmand @p2 vm2, vm3;
	v39 =	vsel @p2 vm0, v49, v44  }
0xc4: {  	v44 =	vsel @p2 vm0, v51, v45;
	v28 =	vsel @p2 vm0, v28, v31;
	v62 =	vmul.f32 v33, v11  }
0xc5: {  	v63 =	vmul.f32 v35, v11;
	v40 =	vsel @p2 vm0, v20, v40;
	vm8 =	vmmov vm1  }
0xc6: {  	vm11 =	vge.f32 v30, $0.0e+00;
	v45 =	vsel @p2 vm2, v50, v46;
	v46 =	vsel @p2 vm2, v52, v47  }
0xc7: {  	v47 =	vsel @p2 vm2, v53, v48;
	v29 =	vsel @p2 vm2, v29, v42;
	v43 =	vsel @p2 vm2, v20, v43;
	v35 =	vpop (erf)  }
0xc8: {  	vm9 =	vge.f32 v62, $0.0e+00;
	v37 =	vmul.f32 v35, v37;
	v38 =	vmul.f32 v35, v38;
	v42 =	vpop (erf)  }
0xc9: {  	s1 =	sadd.s32 $0x100, s0;
	vm10 =	vge.f32 v63, $0.0e+00;
	v36 =	vmul.f32 v35, v36;
	v34 =	vmul.f32 v42, v34  }
0xca: {  	s5 =	sadd.s32 $0x80, s31;
	s1 =	sand.u32 $0xFFFFF800, s1;
	vm1 =	vmand vm9, vm10;
	v32 =	vmul.f32 v42, v32;
	v50 =	vmul.f32 v42, v41  }
0xcb: {  	s5 =	sand.u32 $0x380, s5;
	s1 =	sadd.s32 s21, s1;
	vm12 =	vgt.f32 v35, $1.000000010e-01;
	v52 =	vmul.f32 v37, v22;
	v53 =	vmul.f32 v38, v23  }
0xcc: {  	s1 =	sor.u32 s5, s1;
	vm1 =	vmand vm1, vm11;
	v56 =	vmul.f32 v36, v24;
	v57 =	vmul.f32 v37, v15  }
0xcd: {  	s12 =	sand.u32 $0xFFFFF800, s0;
	s9 =	sor.u32 s19, s1;
	vm14 =	vgt.f32 v42, $1.000000010e-01;
	v58 =	vmul.f32 v38, v16;
	v37 =	vmul.f32 v37, v18  }
0xce: {  	s31 =	sand.u32 $0x380, s31;
	[tilespmem:s22+$0x11D00] =	vst @p2 v39;
	s0 =	sadd.s32 s21, s12;
	v31 =	vld [tilespmem:s9+$0xFD00];
	vm1 =	vmand vm1, vm12;
	v38 =	vmul.f32 v38, v19;
	v59 =	vmul.f32 v34, v15  }
0xcf: {  	[tilespmem:s22+$0x12D00] =	vst @p2 v44;
	s0 =	sor.u32 s31, s0;
	vm0 =	vmand vm8, vm14;
	v60 =	vmul.f32 v32, v16;
	v61 =	vmul.f32 v34, v18  }
0xd0: {  	[tilespmem:s22+$0xFD00] =	vst @p2 v28;
	s0 =	sor.u32 s19, s0;
	v54 =	vld [tilespmem:s9+$0x13D00];
	v63 =	vmul.f32 v32, v19;
	v34 =	vmul.f32 v34, v22;
	v55 =	vadd.f32 v53, v52  }
0xd1: {  	[tilespmem:s3+$0x11D00] =	vst @p2 v45;
	v45 =	vld [tilespmem:s0+$0xFD00];
	v32 =	vmul.f32 v32, v23;
	v62 =	vadd.f32 v58, v57;
	v37 =	vadd.f32 v38, v37  }
0xd2: {  	[tilespmem:s22+$0x10D00] =	vst @p2 v40;
	v49 =	vld [tilespmem:s9+$0x11D00];
	v52 =	vmul.f32 v36, v17;
	v38 =	vmul.f32 v50, v24;
	v33 =	vadd.f32 v60, v59  }
0xd3: {  	[tilespmem:s3+$0x12D00] =	vst @p2 v46;
	v57 =	vld [tilespmem:s0+$0x13D00];
	v51 =	vadd.f32 v63, v61;
	v30 =	vadd.f32 v55, v56;
	vm13 =	vlt.f32 v35, v31  }
0xd4: {  	[tilespmem:s3+$0x13D00] =	vst @p2 v47;
	v28 =	vld [tilespmem:s9+$0x12D00];
	v32 =	vadd.f32 v32, v34;
	v55 =	vmul.f32 v50, v17;
	vm1 =	vmand vm1, vm13  }
0xd5: {  	[tilespmem:s3+$0xFD00] =	vst @p2 v29;
	v53 =	vld [tilespmem:s0+$0x11D00];
	v41 =	vadd.f32 v62, v52;
	v30 =	vsel vm1, v30, v54;
	v54 =	vmul.f32 v36, v21  }
0xd6: {  	[tilespmem:s3+$0x10D00] =	vst @p2 v43;
	v29 =	vld [tilespmem:s0+$0x12D00];
	v56 =	vmul.f32 v50, v21;
	vm15 =	vlt.f32 v42, v45;
	v32 =	vadd.f32 v32, v38  }
0xd7: {  	v60 =	vld [tilespmem:s9+$0x10D00];
	vm0 =	vmand vm0, vm15;
	v59 =	vsel vm1, v41, v49;
	[tilespmem:s9+$0x13D00] =	vst v30;
	v34 =	vadd.f32 v37, v54  }
0xd8: {  	v58 =	vadd.f32 v33, v55;
	v62 =	vsel vm0, v32, v57;
	[tilespmem:s9+$0x11D00] =	vst v59  }
0xd9: {  	v61 =	vadd.f32 v51, v56;
	[tilespmem:s0+$0x13D00] =	vst v62;
	v28 =	vsel vm1, v34, v28  }
0xda: {  	v30 =	vsel vm0, v58, v53;
	[tilespmem:s9+$0x12D00] =	vst v28;
	v28 =	vld [tilespmem:s0+$0x10D00]  }
0xdb: {  	v29 =	vsel vm0, v61, v29;
	[tilespmem:s0+$0x11D00] =	vst v30  }
0xdc: {  	v63 =	vsel vm1, v20, v60;
	[tilespmem:s0+$0x12D00] =	vst v29  }
0xdd: {  	v29 =	vsel vm1, v35, v31;
	[tilespmem:s9+$0x10D00] =	vst v63  }
0xde: {  	[tilespmem:s9+$0xFD00] =	vst v29;
	v29 =	vsel vm0, v42, v45  }
0xdf: {  	[tilespmem:s0+$0xFD00] =	vst v29;
	v28 =	vsel vm0, v20, v28  }
0xe0: {  	[tilespmem:s0+$0x10D00] =	vst v28  }
.LBB2_11:
.Ltmp11:
0xe1: {  	(pc) =	sbr.rel @p1 .LBB2_14-.Ltmp11, $1  }
0xe2: {  	_ =	sdelay $0x3  }
0xe3: {  	s0 =	sshll.u32 s20, $0xA  }
0xe4: {  	s3 =	smov.u32 s17;
	s9 =	smov.u32 s2;
	s20 =	smov.u32 s30  }
.LBB2_13:
0xe5: {  	s1 =	sadd.s32 s20, s25  }
0xe6: {  	s1 =	scvt.s32.f32 s1;
	_ =	sdelay $0x1  }
0xe7: {  	s1 =	sadd.f32 s1, s1;
	_ =	sdelay $0x1  }
0xe8: {  	s1 =	sadd.f32 $-2.550000000e+02, s1;
	_ =	sdelay $0x1  }
0xe9: {  	s1 =	smul.f32 $3.906250000e-03, s1;
	_ =	sdelay $0x1  }
0xea: {  	v28 =	vsub.f32 s1, v4;
	_ =	sdelay $0x1  }
0xeb: {  	v29 =	vmul.f32 v28, v8;
	_ =	sdelay $0x1  }
0xec: {  	v28 =	vmul.f32 v28, v9;
	v29 =	vadd.f32 v29, v26;
	_ =	sdelay $0x1  }
0xed: {  	v28 =	vadd.f32 v28, v27;
	v30 =	vmul.f32 v29, v10;
	_ =	sdelay $0x1  }
0xee: {  	v31 =	vmul.f32 v28, v10;
	v30 =	vsub.f32 $1.000000000e+00, v30;
	_ =	sdelay $0x1  }
0xef: {  	v54 =	vmul.f32 v29, v12;
	v32 =	vmul.f32 v28, v13;
	v30 =	vsub.f32 v30, v31;
	_ =	sdelay $0x1  }
0xf0: {  	v34 =	vadd.f32 v32, v54;
	v33 =	vmul.f32 v30, v14;
	_ =	sdelay $0x1  }
0xf1: {  	v34 =	vadd.f32 v33, v34;
	_ =	sdelay $0x1  }
0xf2: {  	(erf) = vrcp.f32 v34;
	_ =	sdelay $0x2  }
0xf3: {  	s31 =	sand.u32 $0xFFFFF800, s3  }
0xf4: {  	s5 =	sand.u32 $0x380, s9;
	s1 =	sadd.s32 s0, s31  }
0xf5: {  	s1 =	sor.u32 s5, s1;
	v29 =	vmul.f32 v29, v11;
	v28 =	vmul.f32 v28, v11  }
0xf6: {  	s1 =	sor.u32 s19, s1  }
0xf7: {  	vm1 =	vge.f32 v28, $0.0e+00;
	v28 =	vld [tilespmem:s1+$0xFD00];
	_ =	sdelay $0x1  }
0xf8: {  	vm0 =	vge.f32 v29, $0.0e+00;
	v29 =	vpop (erf)  }
0xf9: {  	vm0 =	vmand vm0, vm1;
	vm13 =	vge.f32 v30, $0.0e+00;
	v55 =	vmul.f32 v29, v54  }
0xfa: {  	vm0 =	vmand vm0, vm13;
	v56 =	vmul.f32 v29, v32;
	v57 =	vmul.f32 v29, v33  }
0xfb: {  	vm14 =	vgt.f32 v29, $1.000000010e-01;
	vm15 =	vlt.f32 v29, v28;
	v58 =	vmul.f32 v55, v15  }
0xfc: {  	v59 =	vld [tilespmem:s1+$0x10D00];
	vm0 =	vmand vm0, vm14;
	v35 =	vmul.f32 v56, v16;
	v36 =	vmul.f32 v57, v17  }
0xfd: {  	v37 =	vld [tilespmem:s1+$0x11D00];
	vm0 =	vmand vm0, vm15;
	v38 =	vmul.f32 v55, v18;
	v39 =	vmul.f32 v56, v19  }
0xfe: {  	v60 =	vld [tilespmem:s1+$0x12D00];
	v30 =	vmul.f32 v55, v22;
	v31 =	vmul.f32 v56, v23;
	v33 =	vadd.f32 v35, v58  }
0xff: {  	s20 =	sadd.s32 $0x1, s20;
	v62 =	vld [tilespmem:s1+$0x13D00];
	v61 =	vmul.f32 v57, v21;
	v28 =	vsel vm0, v29, v28;
	v29 =	vadd.f32 v39, v38  }
0x100: {  	p2 =	slt.s32 s20, s28;
	v63 =	vmul.f32 v57, v24;
	v30 =	vadd.f32 v31, v30;
	v33 =	vadd.f32 v33, v36  }
.Ltmp12:
0x101: {  	[tilespmem:s1+$0xFD00] =	vst v28;
	v28 =	vadd.f32 v29, v61;
	v29 =	vsel vm0, v20, v59;
	(pc) =	sbr.rel @p2 .LBB2_13-.Ltmp12, $4  }
0x102: {  	v30 =	vadd.f32 v30, v63;
	[tilespmem:s1+$0x10D00] =	vst v29;
	v29 =	vsel vm0, v33, v37  }
0x103: {  	v28 =	vsel vm0, v28, v60;
	[tilespmem:s1+$0x11D00] =	vst v29  }
0x104: {  	[tilespmem:s1+$0x12D00] =	vst v28;
	v28 =	vsel vm0, v30, v62  }
0x105: {  	s9 =	sadd.s32 $0x80, s9;
	s3 =	sadd.s32 $0x100, s3;
	[tilespmem:s1+$0x13D00] =	vst v28  }
.Ltmp13:
0x106: {  	_ = 	snop;
	(pc) =	sbr.rel .LBB2_14-.Ltmp13, $1  }
0x107: {  	_ =	sdelay $0x3  }
.LBB2_10:
.Ltmp14:
0x108: {  	(pc) =	sbr.rel .LBB2_24-.Ltmp14, $2  }
0x109: {  	_ =	sdelay $0x2  }
0x10a: {  	s0 =	smov.u32 s8;
	s31 =	smov.u32 s7  }
.LBB2_21:
.Ltmp15:
0x10b: {  	(pc) =	sbr.rel .LBB2_24-.Ltmp15, $2  }
0x10c: {  	_ =	sdelay $0x2  }
0x10d: {  	v41 =	vmov v39  }
.LBB2_16:
0x10e: {  	s0 =	simm.s32 $0x0  }
0x10f: {  	s2 =	simm.s32 $0x0;
	s1 =	sand.u32 $0x70, s0;
	s0 =	sand.u32 $0x400, s0  }
0x110: {  	s3 =	simm.s32 $0x0;
	s2 =	sand.u32 $0x800, s2;
	s0 =	sor.u32 s0, s1  }
0x111: {  	s28 =	sand.u32 $0x380, s3;
	s0 =	sor.u32 s2, s0  }
0x112: {  	s0 =	sor.u32 s28, s0  }
0x113: {  	v4 =	vld [tilespmem:s0+$0x10D00]  }
0x114: {  	s29 =	simm.s32 $0x10;
	s2 =	simm.s32 $0x80  }
0x115: {  	s30 =	simm.s32 $0x10;
	s1 =	sand.u32 $0x70, s29;
	s5 =	sand.u32 $0x400, s2  }
0x116: {  	s7 =	simm.s32 $0x8;
	s3 =	sand.u32 $0x800, s30;
	s1 =	sor.u32 s5, s1  }
0x117: {  	s31 =	sand.u32 $0x380, s7;
	s1 =	sor.u32 s3, s1  }
0x118: {  	s8 =	sor.u32 s31, s1;
	vm0 =	vgt.s32 v4, $0xFFFFFFFF  }
0x119: {  	s7 =	simm.s32 $0x20;
	s3 =	simm.s32 $0x2;
	v4 =	vld [tilespmem:s8+$0x10D00];
	v5 =	vsel vm0, $0x3F800000, v2  }
.LBB2_17:
0x11a: {  	s1 =	sand.u32 $0x70, s7;
	s5 =	sshll.u32 s3, $0x4;
	s2 =	sadd.s32 $0x80, s2  }
0x11b: {  	[tilespmem:s0+$0x14D00] =	vst v5;
	s9 =	smov.u32 s3;
	s0 =	smov.u32 s8;
	p0 =	sne.s32 s3, $0xFF  }
.Ltmp16:
0x11c: {  	s3 =	sadd.s32 $0x1, s3;
	s8 =	sand.u32 $0x400, s2;
	(pc) =	sbr.rel @p0 .LBB2_17-.Ltmp16, $4  }
0x11d: {  	s5 =	sand.u32 $0x800, s5;
	s9 =	sshll.u32 s9, $0x3;
	s1 =	sor.u32 s8, s1  }
0x11e: {  	s8 =	sand.u32 $0x380, s9;
	s1 =	sor.u32 s5, s1  }
0x11f: {  	s8 =	sor.u32 s8, s1;
	vm0 =	vgt.s32 v4, $0xFFFFFFFF  }
0x120: {  	s7 =	sadd.s32 $0x10, s7;
	v4 =	vld [tilespmem:s8+$0x10D00];
	v5 =	vsel vm0, $0x3F800000, v2  }
0x121: {  	_ =	sdelay $0x3  }
0x122: {  	vm0 =	vgt.s32 v4, $0xFFFFFFFF  }
0x123: {  	[tilespmem:s0+$0x14D00] =	vst v5;
	v4 =	vsel vm0, $0x3F800000, v2  }
0x124: {  	s1 =	simm.s32 $0x0;
	s18 =	rddreg [dreg:$0x6];
	s2 =	simm.s32 $0x11D00;
	[tilespmem:s8+$0x14D00] =	vst v4  }
0x125: {  	[hbm4b:s18+s1] =	stream.linear.scatter [tilespmem:s2], [sflag:$0x1], $0x1000, $0x38;
	[tilespmem:$0x15D00] =	vst v63  }
0x126: {  	_ =	swait.ge [sflag:s16], $0x1000  }
0x127: {  	[sflag:s16] =	ssyncset.done $0x0  }
0x128: {  	s20 =	simm.s32 $0x12D00;
	s19 =	rddreg [dreg:$0x7];
	[sflag:s16] =	ssyncadd.s32 $0xFFFFF000  }
0x129: {  	[hbm4b:s19+s1] =	stream.linear.scatter [tilespmem:s20], [sflag:$0x1], $0x1000, $0x38;
	[tilespmem:$0x15D00] =	vst v63  }
0x12a: {  	_ =	swait.ge [sflag:s16], $0x1000  }
0x12b: {  	[sflag:s16] =	ssyncset.done $0x0  }
0x12c: {  	s22 =	simm.s32 $0x13D00;
	s21 =	rddreg [dreg:$0x8];
	[sflag:s16] =	ssyncadd.s32 $0xFFFFF000  }
0x12d: {  	[hbm4b:s21+s1] =	stream.linear.scatter [tilespmem:s22], [sflag:$0x1], $0x1000, $0x38;
	[tilespmem:$0x15D00] =	vst v63  }
0x12e: {  	_ =	swait.ge [sflag:s16], $0x1000  }
0x12f: {  	[sflag:s16] =	ssyncset.done $0x0  }
0x130: {  	s25 =	simm.s32 $0x14D00;
	s24 =	rddreg [dreg:$0x9];
	[sflag:s16] =	ssyncadd.s32 $0xFFFFF000  }
0x131: {  	[hbm4b:s24+s1] =	stream.linear.scatter [tilespmem:s25], [sflag:$0x1], $0x1000, $0x38;
	[tilespmem:$0x15D00] =	vst v63  }
0x132: {  	_ =	swait.ge [sflag:s16], $0x1000  }
0x133: {  	[sflag:s16] =	ssyncset.done $0x0  }
0x134: {  	s28 =	simm.s32 $0x10D00;
	s26 =	rddreg [dreg:$0xa];
	[sflag:s16] =	ssyncadd.s32 $0xFFFFF000  }
0x135: {  	[hbm4b:s26+s1] =	stream.linear.scatter [tilespmem:s28], [sflag:$0x1], $0x1000, $0x38;
	[tilespmem:$0x15D00] =	vst v63  }
0x136: {  	_ =	swait.ge [sflag:s16], $0x1000  }
0x137: {  	[sflag:s16] =	ssyncset.done $0x0  }
0x138: {  	s30 =	simm.s32 $0xFD00;
	s29 =	rddreg [dreg:$0xb];
	[sflag:s16] =	ssyncadd.s32 $0xFFFFF000  }
0x139: {  	[hbm4b:s29+s1] =	stream.linear.scatter [tilespmem:s30], [sflag:$0x1], $0x1000, $0x38;
	[tilespmem:$0x15D00] =	vst v63  }
0x13a: {  	_ =	swait.ge [sflag:s16], $0x1000  }
0x13b: {  	s23 =	sadd.s32 $0x1, s23;
	s31 =	rddreg [dreg:$0xc]  }
0x13c: {  	p0 =	sne.s32 s23, s31  }
.Ltmp17:
0x13d: {  	_ = 	snop;
	(pc) =	sbr.rel @p0 .LBB2_1-.Ltmp17, $3  }
0x13e: {  	_ =	sdelay $0x1  }
0x13f: {  	[sflag:s16] =	ssyncset.done $0x0  }
0x140: {  	[sflag:s16] =	ssyncadd.s32 $0xFFFFF000  }
0x141: {  	_ =	sfence.sel $0x180000  }
0x142: {  	[bflag:$0x0] =	sbarrier.arrive $0xFFFF  }
0x143: {  	_ =	strace $0x90000047  }
0x144: {  	s0 =	stileid.u32;
	[bflag:$0x2] =	sbarrier.arrive $0xFFFF  }
0x145: {  	p0 =	sne.s32 s0, $0x0;
	s0 =	rddreg [dreg:$0x4]  }
0x146: {  	s0 =	sadd.s32 @!p0 $0x100000, s0  }
0x147: {  	[sflag:s0] =	ssyncadd.tile.s32 @!p0 $0x1;
	_ =	shalt  }
.Lfunc_end2:
_tile_overlayer_lowered:
.L_overlay_start_2:
0x148: {  	(tag) =	ssettag $0x2  }
0x149: {  	s0 =	rddreg [dreg:$0x0];
	s2 =	stileid.u32  }
0x14a: {  	s1 =	rddreg [dreg:$0x1];
	p0 =	sne.s32 s2, $0x0  }
0x14b: {  	s3 =	rddreg [dreg:$0x2];
	[bflag:$0x3] =	sbarrier.arrive $0xFFFF;
	s2 =	simm.s32 @!p0 $0x1C01  }
0x14c: {  	[timem:s3], [sflag:s2] =	dma.local @!p0 [hbm:s0], s1  }
0x14d: {  	s0 =	simm.s32 @!p0 $0x1  }
0x14e: {  	_ =	swait.ge @!p0 [sflag:s0], s1  }
0x14f: {  	s1 =	ssub.s32 @!p0 $0x0, s1;
	[sflag:s0] =	ssyncset.done @!p0 $0x0  }
0x150: {  	[sflag:s0] =	ssyncadd.s32 @!p0 s1  }
0x151: {  	[bflag:$0x3] =	sbarrier.arrive $0xFFFF  }
0x152: {  	_ =	shalt  }

</sc_bundles>
